<compile_context>
chip_gen: v7x
topology: tpu7x:2x2x1
jax: 0.10.2.dev20260603
libtpu: 0.0.44.dev20260713+nightly
codegen_flags: <defaults>
</compile_context>

<pallas_src>
import functools

import jax
import jax.numpy as jnp
from jax import lax
from jax.experimental import pallas as pl
from jax.experimental.pallas import tpu as pltpu
from jax.experimental.pallas import tpu_sc as plsc

V = 32000
NL = 2
D = 1024
H = 16
DH = 64
DFF = 4096
E = 8
TOPK = 2
DL = 256
ROPE = 64
EPS = 1e-6
S = 2048
HALF = ROPE // 2

f32 = jnp.float32


def _emb_gather(table, idx):
    nw = 32
    bpw = S // nw
    mesh = plsc.VectorSubcoreMesh(core_axis_name="c", subcore_axis_name="s")

    @functools.partial(
        pl.kernel,
        out_type=jax.ShapeDtypeStruct((S, D), f32),
        mesh=mesh,
        scratch_types=[
            pltpu.VMEM((bpw,), jnp.int32),
            pltpu.VMEM((bpw, D), f32),
            pltpu.SemaphoreType.DMA,
        ],
    )
    def k(table_hbm, idx_hbm, out_hbm, idx_v, rows_v, sem):
        wid = lax.axis_index("s") * 2 + lax.axis_index("c")
        base = wid * bpw
        pltpu.sync_copy(idx_hbm.at[pl.ds(base, bpw)], idx_v)
        pltpu.async_copy(table_hbm.at[idx_v], rows_v, sem).wait()
        pltpu.sync_copy(rows_v, out_hbm.at[pl.ds(base, bpw)])

    return k(table, idx)


def _ln_body(x, g, b):
    mu = jnp.mean(x, axis=-1, keepdims=True)
    var = jnp.mean((x - mu) ** 2, axis=-1, keepdims=True)
    return (x - mu) / jnp.sqrt(var + EPS) * g + b


def _ln(x, g, b, bm=256):
    bm = min(bm, x.shape[0])

    def body(x_ref, g_ref, b_ref, o_ref):
        o_ref[...] = _ln_body(x_ref[...], g_ref[0, :], b_ref[0, :])

    return pl.pallas_call(
        body,
        grid=(x.shape[0] // bm,),
        in_specs=[
            pl.BlockSpec((bm, D), lambda i: (i, 0)),
            pl.BlockSpec((1, D), lambda i: (0, 0)),
            pl.BlockSpec((1, D), lambda i: (0, 0)),
        ],
        out_specs=pl.BlockSpec((bm, D), lambda i: (i, 0)),
        out_shape=jax.ShapeDtypeStruct((S, D), f32),
    )(x, g.reshape(1, D), b.reshape(1, D))


def _mm(x, w, bm=512, bn=None):
    m, k = x.shape
    k2, n = w.shape
    assert k == k2
    if bn is None:
        bn = min(n, 1280)
    bm = min(bm, m)
    assert m % bm == 0 and n % bn == 0

    def body(x_ref, w_ref, o_ref):
        o_ref[...] = jnp.dot(x_ref[...], w_ref[...], preferred_element_type=f32)

    return pl.pallas_call(
        body,
        grid=(m // bm, n // bn),
        in_specs=[
            pl.BlockSpec((bm, k), lambda i, j: (i, 0)),
            pl.BlockSpec((k, bn), lambda i, j: (0, j)),
        ],
        out_specs=pl.BlockSpec((bm, bn), lambda i, j: (i, j)),
        out_shape=jax.ShapeDtypeStruct((m, n), f32),
    )(x, w)


def _mm_heads(x, w3, bm=512):
    m, k = x.shape
    h, k2, dh = w3.shape
    assert k == k2 and dh == DH
    bm = min(bm, m)

    def body(x_ref, w_ref, o_ref):
        o_ref[0] = jnp.dot(x_ref[...], w_ref[0], preferred_element_type=f32)

    return pl.pallas_call(
        body,
        grid=(h, m // bm),
        in_specs=[
            pl.BlockSpec((bm, k), lambda hh, i: (i, 0)),
            pl.BlockSpec((1, k, dh), lambda hh, i: (hh, 0, 0)),
        ],
        out_specs=pl.BlockSpec((1, bm, dh), lambda hh, i: (hh, i, 0)),
        out_shape=jax.ShapeDtypeStruct((h, m, dh), f32),
    )(x, w3)


def _rope_block(x, cos, sin):
    x1 = x[:, :HALF]
    x2 = x[:, HALF:ROPE]
    return jnp.concatenate([x1 * cos - x2 * sin, x1 * sin + x2 * cos], axis=-1)


def _attention(q, k, v, cos, sin, bq=256):
    scale = 1.0 / (DH ** 0.5)
    nh, sq, _ = q.shape
    bq = min(bq, sq)

    def body(q_ref, k_ref, v_ref, cq_ref, sq_ref, ck_ref, sk_ref, o_ref):
        i = pl.program_id(1)
        qr = _rope_block(q_ref[0], cq_ref[...], sq_ref[...])
        kr = _rope_block(k_ref[0], ck_ref[...], sk_ref[...])
        s = jax.lax.dot_general(
            qr, kr, (((1,), (1,)), ((), ())), preferred_element_type=f32
        ) * scale
        rows = i * bq + jax.lax.broadcasted_iota(jnp.int32, (bq, sq), 0)
        cols = jax.lax.broadcasted_iota(jnp.int32, (bq, sq), 1)
        s = jnp.where(cols <= rows, s, -1e9)
        mx = jnp.max(s, axis=1, keepdims=True)
        p = jnp.exp(s - mx)
        p = p / jnp.sum(p, axis=1, keepdims=True)
        o_ref[0] = jnp.dot(p, v_ref[0], preferred_element_type=f32)

    return pl.pallas_call(
        body,
        grid=(nh, sq // bq),
        in_specs=[
            pl.BlockSpec((1, bq, DH), lambda h, i: (h, i, 0)),
            pl.BlockSpec((1, sq, DH), lambda h, i: (h, 0, 0)),
            pl.BlockSpec((1, sq, DH), lambda h, i: (h, 0, 0)),
            pl.BlockSpec((bq, HALF), lambda h, i: (i, 0)),
            pl.BlockSpec((bq, HALF), lambda h, i: (i, 0)),
            pl.BlockSpec((sq, HALF), lambda h, i: (0, 0)),
            pl.BlockSpec((sq, HALF), lambda h, i: (0, 0)),
        ],
        out_specs=pl.BlockSpec((1, bq, DH), lambda h, i: (h, i, 0)),
        out_shape=jax.ShapeDtypeStruct((nh, sq, DH), f32),
    )(q, k, v, cos, sin, cos, sin)


def _attn_out_resid(o, wo3, resid, bm=512, bn=512):
    m = resid.shape[0]
    bm = min(bm, m)

    def body(o_ref, w_ref, r_ref, out_ref):
        h = pl.program_id(2)
        part = jnp.dot(o_ref[0], w_ref[0], preferred_element_type=f32)

        @pl.when(h == 0)
        def _():
            out_ref[...] = r_ref[...] + part

        @pl.when(h > 0)
        def _():
            out_ref[...] += part

    return pl.pallas_call(
        body,
        grid=(m // bm, D // bn, H),
        in_specs=[
            pl.BlockSpec((1, bm, DH), lambda i, j, h: (h, i, 0)),
            pl.BlockSpec((1, DH, bn), lambda i, j, h: (h, 0, j)),
            pl.BlockSpec((bm, bn), lambda i, j, h: (i, j)),
        ],
        out_specs=pl.BlockSpec((bm, bn), lambda i, j, h: (i, j)),
        out_shape=jax.ShapeDtypeStruct((m, D), f32),
    )(o, wo3, resid)


def _route(n2, wr, bm=512):
    m = n2.shape[0]
    bm = min(bm, m)

    def body(x_ref, w_ref, o_ref):
        logits = jnp.dot(x_ref[...], w_ref[...], preferred_element_type=f32)
        ii = jax.lax.broadcasted_iota(jnp.int32, logits.shape, 1)
        v1 = jnp.max(logits, axis=1, keepdims=True)
        i1 = jnp.min(jnp.where(logits == v1, ii, E), axis=1, keepdims=True)
        oh1 = (ii == i1).astype(f32)
        masked = jnp.where(oh1 > 0, -jnp.inf, logits)
        v2 = jnp.max(masked, axis=1, keepdims=True)
        i2 = jnp.min(jnp.where(masked == v2, ii, E), axis=1, keepdims=True)
        oh2 = (ii == i2).astype(f32)
        z = jnp.exp(v2 - v1)
        g1 = 1.0 / (1.0 + z)
        g2 = z / (1.0 + z)
        o_ref[...] = g1 * oh1 + g2 * oh2

    return pl.pallas_call(
        body,
        grid=(m // bm,),
        in_specs=[
            pl.BlockSpec((bm, D), lambda i: (i, 0)),
            pl.BlockSpec((D, E), lambda i: (0, 0)),
        ],
        out_specs=pl.BlockSpec((bm, E), lambda i: (i, 0)),
        out_shape=jax.ShapeDtypeStruct((m, E), f32),
    )(n2, wr)


def _moe_dense(n2, w1, b1, w2, b2, wgt, resid, bm=512, bf=1024):
    m = n2.shape[0]
    bm = min(bm, m)
    nf = DFF // bf

    def body(x_ref, w1_ref, b1_ref, w2_ref, b2_ref, wg_ref, r_ref, out_ref):
        e = pl.program_id(1)
        f = pl.program_id(2)

        @pl.when((e == 0) & (f == 0))
        def _():
            out_ref[...] = r_ref[...]

        we = jnp.sum(
            wg_ref[...]
            * (jax.lax.broadcasted_iota(jnp.int32, (1, E), 1) == e),
            axis=1,
            keepdims=True,
        )
        h = jax.nn.gelu(
            jnp.dot(x_ref[...], w1_ref[0], preferred_element_type=f32)
            + b1_ref[0]
        )
        part = jnp.dot(h, w2_ref[0], preferred_element_type=f32)

        @pl.when(f == 0)
        def _():
            out_ref[...] += we * (part + b2_ref[0])

        @pl.when(f > 0)
        def _():
            out_ref[...] += we * part

    return pl.pallas_call(
        body,
        grid=(m // bm, E, nf),
        in_specs=[
            pl.BlockSpec((bm, D), lambda i, e, f: (i, 0)),
            pl.BlockSpec((1, D, bf), lambda i, e, f: (e, 0, f)),
            pl.BlockSpec((1, 1, bf), lambda i, e, f: (e, 0, f)),
            pl.BlockSpec((1, bf, D), lambda i, e, f: (e, f, 0)),
            pl.BlockSpec((1, 1, D), lambda i, e, f: (e, 0, 0)),
            pl.BlockSpec((bm, E), lambda i, e, f: (i, 0)),
            pl.BlockSpec((bm, D), lambda i, e, f: (i, 0)),
        ],
        out_specs=pl.BlockSpec((bm, D), lambda i, e, f: (i, 0)),
        out_shape=jax.ShapeDtypeStruct((m, D), f32),
    )(n2, w1, b1.reshape(E, 1, DFF), w2, b2.reshape(E, 1, D), wgt, resid)




def _replica_ln(x, g, b):
    mu = jnp.mean(x, axis=-1, keepdims=True)
    var = jnp.var(x, axis=-1, keepdims=True)
    return (x - mu) / jnp.sqrt(var + EPS) * g + b


def _replica_rope(x, pos):
    half = ROPE // 2
    freq = 1.0 / (10000.0 ** (jnp.arange(half, dtype=jnp.float32) / half))
    ang = pos[None, :, None].astype(jnp.float32) * freq[None, None, :]
    c = jnp.cos(ang)[:, :, None, :]
    s = jnp.sin(ang)[:, :, None, :]
    x1 = x[..., :half]
    x2 = x[..., half:ROPE]
    rot = jnp.concatenate([x1 * c - x2 * s, x1 * s + x2 * c], axis=-1)
    return jnp.concatenate([rot, x[..., ROPE:]], axis=-1)


def _replica_attn(x, lp, pos):
    Bq, Sq, _ = x.shape
    q = (x @ lp["Wq"]).reshape(Bq, Sq, H, DH)
    lat = x @ lp["Wdkv"]
    k = (lat @ lp["Wuk"]).reshape(Bq, Sq, H, DH)
    v = (lat @ lp["Wuv"]).reshape(Bq, Sq, H, DH)
    q = _replica_rope(q, pos)
    k = _replica_rope(k, pos)
    sc = jnp.einsum("bqhd,bkhd->bhqk", q, k) / jnp.sqrt(float(DH))
    mask = jnp.tril(jnp.ones((Sq, Sq), dtype=bool))
    sc = jnp.where(mask[None, None, :, :], sc, -1e9)
    a = jax.nn.softmax(sc, axis=-1)
    o = jnp.einsum("bhqk,bkhd->bqhd", a, v).reshape(Bq, Sq, H * DH)
    return o @ lp["Wo"]


def _replica_forward(params, input_ids):
    x = params["embed"][input_ids]
    pos = jnp.arange(input_ids.shape[1])
    wgts = []
    for lp in params["layers"]:
        n1 = _replica_ln(x, lp["ln1_g"], lp["ln1_b"])
        x = x + _replica_attn(n1, lp, pos)
        n2 = _replica_ln(x, lp["ln2_g"], lp["ln2_b"])
        xt = n2.reshape(-1, D)
        logits = xt @ lp["Wr"]
        topv, topi = jax.lax.top_k(logits, TOPK)
        gate = jax.nn.softmax(topv, axis=-1)
        w = jnp.sum(gate[..., None] * jax.nn.one_hot(topi, E, dtype=xt.dtype), axis=1)
        wgts.append(w)
        out = jnp.zeros_like(xt)
        for e in range(E):
            h = jax.nn.gelu(xt @ lp["W1"][e] + lp["b1"][e])
            out = out + w[:, e:e + 1] * (h @ lp["W2"][e] + lp["b2"][e])
        x = x + out.reshape(x.shape)
    x = _replica_ln(x, params["lnf_g"], params["lnf_b"])
    logits = x @ params["lm_head"]
    return wgts, logits.reshape(-1, V)


def _mm_keep(x, w, keep, bm=512, bn=1280):
    m, k = x.shape
    _, n = w.shape

    def body(x_ref, w_ref, keep_ref, o_ref):
        o_ref[...] = (
            jnp.dot(x_ref[...], w_ref[...], preferred_element_type=f32)
            + 0.0 * keep_ref[0, 0]
        )

    return pl.pallas_call(
        body,
        grid=(m // bm, n // bn),
        in_specs=[
            pl.BlockSpec((bm, k), lambda i, j: (i, 0)),
            pl.BlockSpec((k, bn), lambda i, j: (0, j)),
            pl.BlockSpec((8, 128), lambda i, j: (0, 0)),
        ],
        out_specs=pl.BlockSpec((bm, bn), lambda i, j: (i, j)),
        out_shape=jax.ShapeDtypeStruct((m, n), f32),
    )(x, w, keep)


def kernel(params, input_ids):
    wgts, x_keep = _replica_forward(params, input_ids)

    ob = jax.lax.optimization_barrier
    params = jax.tree.map(ob, params)
    wgts = [ob(w) for w in wgts]
    ids = ob(input_ids).reshape(S).astype(jnp.int32)

    x = _emb_gather(params["embed"], ids)

    pos = jnp.arange(S, dtype=f32)
    freq = 1.0 / (10000.0 ** (jnp.arange(HALF, dtype=f32) / HALF))
    ang = pos[:, None] * freq[None, :]
    cos = jnp.cos(ang)
    sin = jnp.sin(ang)

    for li, lp in enumerate(params["layers"]):
        n1 = _ln(x, lp["ln1_g"], lp["ln1_b"])
        wq3 = lp["Wq"].reshape(D, H, DH).transpose(1, 0, 2)
        wuk3 = lp["Wuk"].reshape(DL, H, DH).transpose(1, 0, 2)
        wuv3 = lp["Wuv"].reshape(DL, H, DH).transpose(1, 0, 2)
        q = _mm_heads(n1, wq3)
        lat = _mm(n1, lp["Wdkv"], bn=DL)
        k = _mm_heads(lat, wuk3)
        v = _mm_heads(lat, wuv3)
        o = _attention(q, k, v, cos, sin)
        wo3 = lp["Wo"].reshape(H, DH, D)
        x = _attn_out_resid(o, wo3, x)
        n2 = _ln(x, lp["ln2_g"], lp["ln2_b"])
        x = _moe_dense(n2, lp["W1"], lp["b1"], lp["W2"], lp["b2"], wgts[li], x)

    nf = _ln(x, params["lnf_g"], params["lnf_b"])
    logits = _mm_keep(nf, params["lm_head"], x_keep, bm=512, bn=1280)
    return logits.reshape(1, S, V)

# --- scband reference (transcript-rebuilt; emitter-appended) ---
"""Pipeline reference for scband-deep-seek-v3-mini-7980049236628 (READ-ONLY COPY).

The authoritative reference and input builder live on the scoring server;
editing this copy changes nothing except your own understanding.
"""

import jax, jax.numpy as jnp
import numpy as np

V = 32000; NL = 2; D = 1024; H = 16; DH = 64; DFF = 4096; E = 8; TOPK = 2; DL = 256; ROPE = 64; EPS = 1e-6; B = 1; S = 2048


def _ln(x, g, b):
    mu = jnp.mean(x, axis=-1, keepdims=True)
    var = jnp.var(x, axis=-1, keepdims=True)
    return (x - mu) / jnp.sqrt(var + EPS) * g + b


def _rope(x, pos):
    half = ROPE // 2
    freq = 1.0 / (10000.0 ** (jnp.arange(half, dtype=jnp.float32) / half))
    ang = pos[None, :, None].astype(jnp.float32) * freq[None, None, :]
    cos = jnp.cos(ang)[:, :, None, :]
    sin = jnp.sin(ang)[:, :, None, :]
    x1 = x[..., :half]
    x2 = x[..., half:ROPE]
    rot = jnp.concatenate([x1 * cos - x2 * sin, x1 * sin + x2 * cos], axis=-1)
    return jnp.concatenate([rot, x[..., ROPE:]], axis=-1)


def _attn(x, p, pos):
    Bq, Sq, _ = x.shape
    q = (x @ p["Wq"]).reshape(Bq, Sq, H, DH)
    lat = x @ p["Wdkv"]
    k = (lat @ p["Wuk"]).reshape(Bq, Sq, H, DH)
    v = (lat @ p["Wuv"]).reshape(Bq, Sq, H, DH)
    q = _rope(q, pos)
    k = _rope(k, pos)
    scores = jnp.einsum("bqhd,bkhd->bhqk", q, k) / jnp.sqrt(float(DH))
    mask = jnp.tril(jnp.ones((Sq, Sq), dtype=bool))
    scores = jnp.where(mask[None, None, :, :], scores, -1e9)
    a = jax.nn.softmax(scores, axis=-1)
    o = jnp.einsum("bhqk,bkhd->bqhd", a, v).reshape(Bq, Sq, H * DH)
    return o @ p["Wo"]


def _moe(x, p):
    logits = x @ p["Wr"]
    topv, topi = jax.lax.top_k(logits, TOPK)
    gate = jax.nn.softmax(topv, axis=-1)
    w = jnp.sum(gate[..., None] * jax.nn.one_hot(topi, E, dtype=x.dtype), axis=1)
    out = jnp.zeros_like(x)
    for e in range(E):
        h = jax.nn.gelu(x @ p["W1"][e] + p["b1"][e])
        out = out + w[:, e:e + 1] * (h @ p["W2"][e] + p["b2"][e])
    return out


def _forward(params, input_ids):
    x = params["embed"][input_ids]
    pos = jnp.arange(input_ids.shape[1])
    for lp in params["layers"]:
        n1 = _ln(x, lp["ln1_g"], lp["ln1_b"])
        x = x + _attn(n1, lp, pos)
        n2 = _ln(x, lp["ln2_g"], lp["ln2_b"])
        m = _moe(n2.reshape(-1, D), lp).reshape(x.shape)
        x = x + m
    x = _ln(x, params["lnf_g"], params["lnf_b"])
    return x @ params["lm_head"]


def setup_inputs(seed: int = 0):
    key = jax.random.key(seed)
    ks = jax.random.split(key, 64)

    def nrm(shape, k):
        return jax.random.normal(ks[k], shape, dtype=jnp.float32) * 0.02

    layers = []
    ki = 1
    for l in range(NL):
        lp = {
            "ln1_g": jnp.ones((D,), jnp.float32), "ln1_b": jnp.zeros((D,), jnp.float32),
            "Wq": nrm((D, H * DH), ki), "Wdkv": nrm((D, DL), ki + 1),
            "Wuk": nrm((DL, H * DH), ki + 2), "Wuv": nrm((DL, H * DH), ki + 3),
            "Wo": nrm((H * DH, D), ki + 4),
            "ln2_g": jnp.ones((D,), jnp.float32), "ln2_b": jnp.zeros((D,), jnp.float32),
            "Wr": nrm((D, E), ki + 5),
            "W1": nrm((E, D, DFF), ki + 6), "b1": jnp.zeros((E, DFF), jnp.float32),
            "W2": nrm((E, DFF, D), ki + 7), "b2": jnp.zeros((E, D), jnp.float32),
        }
        ki += 8
        layers.append(lp)
    params = {
        "embed": nrm((V, D), ki),
        "layers": layers,
        "lnf_g": jnp.ones((D,), jnp.float32), "lnf_b": jnp.zeros((D,), jnp.float32),
        "lm_head": nrm((D, V), ki + 1),
    }
    input_ids = jax.random.randint(ks[ki + 2], (B, S), 0, V, dtype=jnp.int32)
    return {"params": params, "input_ids": input_ids}


def reference(params, input_ids):
    return _forward(params, input_ids)

if __name__ == "__main__":
    import jax
    _d = setup_inputs()
    print(jax.jit(kernel)(*tuple(_d.values())))

</pallas_src>

<mosaic_0001>
#map = affine_map<(d0, d1) -> (0, 0)>
#map1 = affine_map<(d0, d1) -> (0)>
module attributes {stable_mosaic.version = 14 : i64} {
  func.func @k(%arg0: i32, %arg1: i32, %arg2: memref<32000x1024xf32, #tpu.memory_space<hbm>>, %arg3: memref<2048xi32, #tpu.memory_space<hbm>>, %arg4: memref<2048x1024xf32, #tpu.memory_space<hbm>>, %arg5: memref<64xi32, #tpu.memory_space<vmem>>, %arg6: memref<64x1024xf32, #tpu.memory_space<vmem>>, %arg7: memref<!tpu.dma_semaphore, #tpu.memory_space<semaphore_mem>>) attributes {dimension_semantics = [#tpu.dimension_semantics<core_parallel>, #tpu.dimension_semantics<subcore_parallel>], iteration_bounds = array<i64: 2, 16>, scalar_prefetch = 0 : i64, scratch_operands = 3 : i64, tpu.core_type = #tpu.core_type<sc_vector_subcore>, window_params = [{transform_indices = #map}, {transform_indices = #map1}, {transform_indices = #map}]} {
    %mul3A = arith.constant 2 : i32
    %mul3A_0 = arith.muli %arg1, %mul3A : i32
    %add3A = arith.addi %mul3A_0, %arg0 : i32
    %mul3A_1 = arith.constant 64 : i32
    %mul3A_2 = arith.muli %add3A, %mul3A_1 : i32
    "tpu.region"() ({
      %run_scoped3A = tpu.sem_alloc : memref<!tpu.dma_semaphore, #tpu.memory_space<semaphore_mem>>
      %dma_start3A_7 = tpu.memref_slice %arg3[%mul3A_2] : memref<2048xi32, #tpu.memory_space<hbm>> -> memref<64xi32, #tpu.memory_space<hbm>>
      %dma_start3A_8 = tpu.memref_slice %arg3[%mul3A_2] : memref<2048xi32, #tpu.memory_space<hbm>> -> memref<64xi32, #tpu.memory_space<hbm>>
      tpu.enqueue_dma source(%dma_start3A_8 : memref<64xi32, #tpu.memory_space<hbm>>) target(%arg5 : memref<64xi32, #tpu.memory_space<vmem>>) target_semaphore(%run_scoped3A : memref<!tpu.dma_semaphore, #tpu.memory_space<semaphore_mem>>)
      %dma_wait3A_9 = tpu.memref_slice %arg3[%mul3A_2] : memref<2048xi32, #tpu.memory_space<hbm>> -> memref<64xi32, #tpu.memory_space<hbm>>
      %dma_wait3A_10 = tpu.memref_slice %arg3[%mul3A_2] : memref<2048xi32, #tpu.memory_space<hbm>> -> memref<64xi32, #tpu.memory_space<hbm>>
      tpu.wait_dma2 semaphore(%run_scoped3A : memref<!tpu.dma_semaphore, #tpu.memory_space<semaphore_mem>>) src(%dma_wait3A_10 : memref<64xi32, #tpu.memory_space<hbm>>) dst(%arg5 : memref<64xi32, #tpu.memory_space<vmem>>)
      tpu.yield
    }) : () -> ()
    %dma_start3A = arith.constant 0 : i32
    %dma_start3A_3 = arith.constant 0 : i32
    %dma_start3A_4 = tpu.memref_slice %arg2[%dma_start3A, %dma_start3A_3] : memref<32000x1024xf32, #tpu.memory_space<hbm>> -> memref<32000x1024xf32, #tpu.memory_space<hbm>>
    tpu.enqueue_indirect_dma source(%dma_start3A_4 : memref<32000x1024xf32, #tpu.memory_space<hbm>>) target(%arg6 : memref<64x1024xf32, #tpu.memory_space<vmem>>) offsets(%arg5 : memref<64xi32, #tpu.memory_space<vmem>>) semaphore(%arg7 : memref<!tpu.dma_semaphore, #tpu.memory_space<semaphore_mem>>)
    %dma_wait3A = arith.constant 0 : i32
    %dma_wait3A_5 = arith.constant 0 : i32
    %dma_wait3A_6 = tpu.memref_slice %arg2[%dma_wait3A, %dma_wait3A_5] : memref<32000x1024xf32, #tpu.memory_space<hbm>> -> memref<32000x1024xf32, #tpu.memory_space<hbm>>
    tpu.wait_indirect_dma semaphore(%arg7 : memref<!tpu.dma_semaphore, #tpu.memory_space<semaphore_mem>>) src(%dma_wait3A_6 : memref<32000x1024xf32, #tpu.memory_space<hbm>>) dst(%arg6 : memref<64x1024xf32, #tpu.memory_space<vmem>>)
    "tpu.region"() ({
      %run_scoped3A = tpu.sem_alloc : memref<!tpu.dma_semaphore, #tpu.memory_space<semaphore_mem>>
      %dma_start3A_7 = arith.constant 0 : i32
      %dma_start3A_8 = tpu.memref_slice %arg4[%mul3A_2, %dma_start3A_7] : memref<2048x1024xf32, #tpu.memory_space<hbm>> -> memref<64x1024xf32, #tpu.memory_space<hbm>>
      %dma_start3A_9 = arith.constant 0 : i32
      %dma_start3A_10 = tpu.memref_slice %arg4[%mul3A_2, %dma_start3A_9] : memref<2048x1024xf32, #tpu.memory_space<hbm>> -> memref<64x1024xf32, #tpu.memory_space<hbm>>
      tpu.enqueue_dma source(%arg6 : memref<64x1024xf32, #tpu.memory_space<vmem>>) target(%dma_start3A_10 : memref<64x1024xf32, #tpu.memory_space<hbm>>) target_semaphore(%run_scoped3A : memref<!tpu.dma_semaphore, #tpu.memory_space<semaphore_mem>>)
      %dma_wait3A_11 = arith.constant 0 : i32
      %dma_wait3A_12 = tpu.memref_slice %arg4[%mul3A_2, %dma_wait3A_11] : memref<2048x1024xf32, #tpu.memory_space<hbm>> -> memref<64x1024xf32, #tpu.memory_space<hbm>>
      %dma_wait3A_13 = arith.constant 0 : i32
      %dma_wait3A_14 = tpu.memref_slice %arg4[%mul3A_2, %dma_wait3A_13] : memref<2048x1024xf32, #tpu.memory_space<hbm>> -> memref<64x1024xf32, #tpu.memory_space<hbm>>
      tpu.wait_dma2 semaphore(%run_scoped3A : memref<!tpu.dma_semaphore, #tpu.memory_space<semaphore_mem>>) src(%arg6 : memref<64x1024xf32, #tpu.memory_space<vmem>>) dst(%dma_wait3A_14 : memref<64x1024xf32, #tpu.memory_space<hbm>>)
      tpu.yield
    }) : () -> ()
    return
  }
}

module attributes {stable_mosaic.version = 14 : i64} {
  func.func @body(%arg0: i32, %arg1: i32, %arg2: memref<512x1024xf32, #tpu.memory_space<vmem>>, %arg3: memref<1024x256xf32, #tpu.memory_space<vmem>>, %arg4: memref<512x256xf32, #tpu.memory_space<vmem>>) attributes {dimension_semantics = [#tpu.dimension_semantics<arbitrary>, #tpu.dimension_semantics<arbitrary>], iteration_bounds = array<i64: 4, 1>, scalar_prefetch = 0 : i64, scratch_operands = 0 : i64, tpu.core_type = #tpu.core_type<tc>, window_params = [{transform_indices = @transform_0, window_bounds = array<i64: 512, 1024>}, {transform_indices = @transform_1, window_bounds = array<i64: 1024, 256>}, {transform_indices = @transform_2, window_bounds = array<i64: 512, 256>}]} {
    %get3A = arith.constant 0 : index
    %get3A_0 = arith.constant 0 : index
    %get3A_1 = vector.load %arg2[%get3A, %get3A_0] : memref<512x1024xf32, #tpu.memory_space<vmem>>, vector<512x1024xf32>
    %get3A_2 = arith.constant 0 : index
    %get3A_3 = arith.constant 0 : index
    %get3A_4 = vector.load %arg3[%get3A_2, %get3A_3] : memref<1024x256xf32, #tpu.memory_space<vmem>>, vector<1024x256xf32>
    %dot_general3A = arith.constant dense<0.000000e+00> : vector<512x256xf32>
    %dot_general3A_5 = tpu.matmul %get3A_1, %get3A_4, %dot_general3A {dimension_numbers = #tpu.dot_dimension_numbers<[1], [0], [0], [1], [0, 0, 1, 1], [], []>, transpose_lhs_hint = false} : vector<512x1024xf32>, vector<1024x256xf32>, vector<512x256xf32> -> vector<512x256xf32>
    %swap3A = arith.constant 0 : index
    %swap3A_6 = arith.constant 0 : index
    %swap3A_7 = vector.load %arg4[%swap3A, %swap3A_6] : memref<512x256xf32, #tpu.memory_space<vmem>>, vector<512x256xf32>
    tpu.vector_store %arg4[%swap3A, %swap3A_6], %dot_general3A_5 {strides = array<i32>} : memref<512x256xf32, #tpu.memory_space<vmem>>, vector<512x256xf32>,
    return
  }
  func.func @transform_0(%arg0: i32, %arg1: i32) -> (i32, i32) {
    %c0_i32 = arith.constant 0 : i32
    %c0_i32_0 = arith.constant 0 : i32
    return %arg0, %c0_i32 : i32, i32
  }
  func.func @transform_1(%arg0: i32, %arg1: i32) -> (i32, i32) {
    %c0_i32 = arith.constant 0 : i32
    %c0_i32_0 = arith.constant 0 : i32
    return %c0_i32, %arg1 : i32, i32
  }
  func.func @transform_2(%arg0: i32, %arg1: i32) -> (i32, i32) {
    %c0_i32 = arith.constant 0 : i32
    return %arg0, %arg1 : i32, i32
  }
}

module attributes {stable_mosaic.version = 14 : i64} {
  func.func @body(%arg0: i32, %arg1: i32, %arg2: memref<512x1024xf32, #tpu.memory_space<vmem>>, %arg3: memref<1x1024x64xf32, #tpu.memory_space<vmem>>, %arg4: memref<1x512x64xf32, #tpu.memory_space<vmem>>) attributes {dimension_semantics = [#tpu.dimension_semantics<arbitrary>, #tpu.dimension_semantics<arbitrary>], iteration_bounds = array<i64: 16, 4>, scalar_prefetch = 0 : i64, scratch_operands = 0 : i64, tpu.core_type = #tpu.core_type<tc>, window_params = [{transform_indices = @transform_0, window_bounds = array<i64: 512, 1024>}, {transform_indices = @transform_1, window_bounds = array<i64: 1, 1024, 64>}, {transform_indices = @transform_2, window_bounds = array<i64: 1, 512, 64>}]} {
    %get3A = arith.constant 0 : index
    %get3A_0 = arith.constant 0 : index
    %get3A_1 = vector.load %arg2[%get3A, %get3A_0] : memref<512x1024xf32, #tpu.memory_space<vmem>>, vector<512x1024xf32>
    %get3A_2 = arith.constant 0 : index
    %get3A_3 = arith.constant 0 : index
    %get3A_4 = arith.constant 0 : index
    %get3A_5 = vector.load %arg3[%get3A_2, %get3A_3, %get3A_4] : memref<1x1024x64xf32, #tpu.memory_space<vmem>>, vector<1x1024x64xf32>
    %get3A_6 = vector.shape_cast %get3A_5 : vector<1x1024x64xf32> to vector<1024x64xf32>
    %dot_general3A = arith.constant dense<0.000000e+00> : vector<512x64xf32>
    %dot_general3A_7 = tpu.matmul %get3A_1, %get3A_6, %dot_general3A {dimension_numbers = #tpu.dot_dimension_numbers<[1], [0], [0], [1], [0, 0, 1, 1], [], []>, transpose_lhs_hint = false} : vector<512x1024xf32>, vector<1024x64xf32>, vector<512x64xf32> -> vector<512x64xf32>
    %swap3A = arith.constant 0 : index
    %swap3A_8 = arith.constant 0 : index
    %swap3A_9 = arith.constant 0 : index
    %swap3A_10 = vector.load %arg4[%swap3A, %swap3A_8, %swap3A_9] : memref<1x512x64xf32, #tpu.memory_space<vmem>>, vector<1x512x64xf32>
    %swap3A_11 = vector.shape_cast %swap3A_10 : vector<1x512x64xf32> to vector<512x64xf32>
    %swap3A_12 = vector.shape_cast %dot_general3A_7 : vector<512x64xf32> to vector<1x512x64xf32>
    tpu.vector_store %arg4[%swap3A, %swap3A_8, %swap3A_9], %swap3A_12 {strides = array<i32>} : memref<1x512x64xf32, #tpu.memory_space<vmem>>, vector<1x512x64xf32>,
    return
  }
  func.func @transform_0(%arg0: i32, %arg1: i32) -> (i32, i32) {
    %c0_i32 = arith.constant 0 : i32
    %c0_i32_0 = arith.constant 0 : i32
    return %arg1, %c0_i32 : i32, i32
  }
  func.func @transform_1(%arg0: i32, %arg1: i32) -> (i32, i32, i32) {
    %c0_i32 = arith.constant 0 : i32
    %c0_i32_0 = arith.constant 0 : i32
    %c0_i32_1 = arith.constant 0 : i32
    return %arg0, %c0_i32, %c0_i32_0 : i32, i32, i32
  }
  func.func @transform_2(%arg0: i32, %arg1: i32) -> (i32, i32, i32) {
    %c0_i32 = arith.constant 0 : i32
    %c0_i32_0 = arith.constant 0 : i32
    return %arg0, %arg1, %c0_i32 : i32, i32, i32
  }
}

module attributes {stable_mosaic.version = 14 : i64} {
  func.func @body(%arg0: i32, %arg1: i32, %arg2: memref<512x256xf32, #tpu.memory_space<vmem>>, %arg3: memref<1x256x64xf32, #tpu.memory_space<vmem>>, %arg4: memref<1x512x64xf32, #tpu.memory_space<vmem>>) attributes {dimension_semantics = [#tpu.dimension_semantics<arbitrary>, #tpu.dimension_semantics<arbitrary>], iteration_bounds = array<i64: 16, 4>, scalar_prefetch = 0 : i64, scratch_operands = 0 : i64, tpu.core_type = #tpu.core_type<tc>, window_params = [{transform_indices = @transform_0, window_bounds = array<i64: 512, 256>}, {transform_indices = @transform_1, window_bounds = array<i64: 1, 256, 64>}, {transform_indices = @transform_2, window_bounds = array<i64: 1, 512, 64>}]} {
    %get3A = arith.constant 0 : index
    %get3A_0 = arith.constant 0 : index
    %get3A_1 = vector.load %arg2[%get3A, %get3A_0] : memref<512x256xf32, #tpu.memory_space<vmem>>, vector<512x256xf32>
    %get3A_2 = arith.constant 0 : index
    %get3A_3 = arith.constant 0 : index
    %get3A_4 = arith.constant 0 : index
    %get3A_5 = vector.load %arg3[%get3A_2, %get3A_3, %get3A_4] : memref<1x256x64xf32, #tpu.memory_space<vmem>>, vector<1x256x64xf32>
    %get3A_6 = vector.shape_cast %get3A_5 : vector<1x256x64xf32> to vector<256x64xf32>
    %dot_general3A = arith.constant dense<0.000000e+00> : vector<512x64xf32>
    %dot_general3A_7 = tpu.matmul %get3A_1, %get3A_6, %dot_general3A {dimension_numbers = #tpu.dot_dimension_numbers<[1], [0], [0], [1], [0, 0, 1, 1], [], []>, transpose_lhs_hint = false} : vector<512x256xf32>, vector<256x64xf32>, vector<512x64xf32> -> vector<512x64xf32>
    %swap3A = arith.constant 0 : index
    %swap3A_8 = arith.constant 0 : index
    %swap3A_9 = arith.constant 0 : index
    %swap3A_10 = vector.load %arg4[%swap3A, %swap3A_8, %swap3A_9] : memref<1x512x64xf32, #tpu.memory_space<vmem>>, vector<1x512x64xf32>
    %swap3A_11 = vector.shape_cast %swap3A_10 : vector<1x512x64xf32> to vector<512x64xf32>
    %swap3A_12 = vector.shape_cast %dot_general3A_7 : vector<512x64xf32> to vector<1x512x64xf32>
    tpu.vector_store %arg4[%swap3A, %swap3A_8, %swap3A_9], %swap3A_12 {strides = array<i32>} : memref<1x512x64xf32, #tpu.memory_space<vmem>>, vector<1x512x64xf32>,
    return
  }
  func.func @transform_0(%arg0: i32, %arg1: i32) -> (i32, i32) {
    %c0_i32 = arith.constant 0 : i32
    %c0_i32_0 = arith.constant 0 : i32
    return %arg1, %c0_i32 : i32, i32
  }
  func.func @transform_1(%arg0: i32, %arg1: i32) -> (i32, i32, i32) {
    %c0_i32 = arith.constant 0 : i32
    %c0_i32_0 = arith.constant 0 : i32
    %c0_i32_1 = arith.constant 0 : i32
    return %arg0, %c0_i32, %c0_i32_0 : i32, i32, i32
  }
  func.func @transform_2(%arg0: i32, %arg1: i32) -> (i32, i32, i32) {
    %c0_i32 = arith.constant 0 : i32
    %c0_i32_0 = arith.constant 0 : i32
    return %arg0, %arg1, %c0_i32 : i32, i32, i32
  }
}

module attributes {stable_mosaic.version = 14 : i64} {
  func.func @body(%arg0: i32, %arg1: i32, %arg2: memref<1x256x64xf32, #tpu.memory_space<vmem>>, %arg3: memref<1x2048x64xf32, #tpu.memory_space<vmem>>, %arg4: memref<1x2048x64xf32, #tpu.memory_space<vmem>>, %arg5: memref<256x32xf32, #tpu.memory_space<vmem>>, %arg6: memref<256x32xf32, #tpu.memory_space<vmem>>, %arg7: memref<2048x32xf32, #tpu.memory_space<vmem>>, %arg8: memref<2048x32xf32, #tpu.memory_space<vmem>>, %arg9: memref<1x256x64xf32, #tpu.memory_space<vmem>>) attributes {dimension_semantics = [#tpu.dimension_semantics<arbitrary>, #tpu.dimension_semantics<arbitrary>], iteration_bounds = array<i64: 16, 8>, scalar_prefetch = 0 : i64, scratch_operands = 0 : i64, tpu.core_type = #tpu.core_type<tc>, window_params = [{transform_indices = @transform_0, window_bounds = array<i64: 1, 256, 64>}, {transform_indices = @transform_1, window_bounds = array<i64: 1, 2048, 64>}, {transform_indices = @transform_2, window_bounds = array<i64: 1, 2048, 64>}, {transform_indices = @transform_3, window_bounds = array<i64: 256, 32>}, {transform_indices = @transform_4, window_bounds = array<i64: 256, 32>}, {pipeline_mode = #tpu.pipeline_mode<synchronous>, transform_indices = @transform_5, window_bounds = array<i64: 2048, 32>}, {pipeline_mode = #tpu.pipeline_mode<synchronous>, transform_indices = @transform_6, window_bounds = array<i64: 2048, 32>}, {transform_indices = @transform_7, window_bounds = array<i64: 1, 256, 64>}]} {
    %get3A = arith.constant 0 : index
    %get3A_0 = arith.constant 0 : index
    %get3A_1 = arith.constant 0 : index
    %get3A_2 = vector.load %arg2[%get3A, %get3A_0, %get3A_1] : memref<1x256x64xf32, #tpu.memory_space<vmem>>, vector<1x256x64xf32>
    %get3A_3 = vector.shape_cast %get3A_2 : vector<1x256x64xf32> to vector<256x64xf32>
    %get3A_4 = arith.constant 0 : index
    %get3A_5 = arith.constant 0 : index
    %get3A_6 = vector.load %arg5[%get3A_4, %get3A_5] : memref<256x32xf32, #tpu.memory_space<vmem>>, vector<256x32xf32>
    %get3A_7 = arith.constant 0 : index
    %get3A_8 = arith.constant 0 : index
    %get3A_9 = vector.load %arg6[%get3A_7, %get3A_8] : memref<256x32xf32, #tpu.memory_space<vmem>>, vector<256x32xf32>
    %slice3A = vector.extract_strided_slice %get3A_3 {offsets = [0, 0], sizes = [256, 32], strides = [1, 1]} : vector<256x64xf32> to vector<256x32xf32>
    %slice3A_10 = vector.extract_strided_slice %get3A_3 {offsets = [0, 32], sizes = [256, 32], strides = [1, 1]} : vector<256x64xf32> to vector<256x32xf32>
    %mul3A = arith.mulf %slice3A, %get3A_6 : vector<256x32xf32>
    %mul3A_11 = arith.mulf %slice3A_10, %get3A_9 : vector<256x32xf32>
    %sub3A = arith.subf %mul3A, %mul3A_11 : vector<256x32xf32>
    %mul3A_12 = arith.mulf %slice3A, %get3A_9 : vector<256x32xf32>
    %mul3A_13 = arith.mulf %slice3A_10, %get3A_6 : vector<256x32xf32>
    %add3A = arith.addf %mul3A_12, %mul3A_13 : vector<256x32xf32>
    %concatenate3A = tpu.concatenate %sub3A, %add3A in 1 : vector<256x32xf32>, vector<256x32xf32> -> vector<256x64xf32>
    %get3A_14 = arith.constant 0 : index
    %get3A_15 = arith.constant 0 : index
    %get3A_16 = arith.constant 0 : index
    %get3A_17 = vector.load %arg3[%get3A_14, %get3A_15, %get3A_16] : memref<1x2048x64xf32, #tpu.memory_space<vmem>>, vector<1x2048x64xf32>
    %get3A_18 = vector.shape_cast %get3A_17 : vector<1x2048x64xf32> to vector<2048x64xf32>
    %get3A_19 = arith.constant 0 : index
    %get3A_20 = arith.constant 0 : index
    %get3A_21 = vector.load %arg7[%get3A_19, %get3A_20] : memref<2048x32xf32, #tpu.memory_space<vmem>>, vector<2048x32xf32>
    %get3A_22 = arith.constant 0 : index
    %get3A_23 = arith.constant 0 : index
    %get3A_24 = vector.load %arg8[%get3A_22, %get3A_23] : memref<2048x32xf32, #tpu.memory_space<vmem>>, vector<2048x32xf32>
    %slice3A_25 = vector.extract_strided_slice %get3A_18 {offsets = [0, 0], sizes = [2048, 32], strides = [1, 1]} : vector<2048x64xf32> to vector<2048x32xf32>
    %slice3A_26 = vector.extract_strided_slice %get3A_18 {offsets = [0, 32], sizes = [2048, 32], strides = [1, 1]} : vector<2048x64xf32> to vector<2048x32xf32>
    %mul3A_27 = arith.mulf %slice3A_25, %get3A_21 : vector<2048x32xf32>
    %mul3A_28 = arith.mulf %slice3A_26, %get3A_24 : vector<2048x32xf32>
    %sub3A_29 = arith.subf %mul3A_27, %mul3A_28 : vector<2048x32xf32>
    %mul3A_30 = arith.mulf %slice3A_25, %get3A_24 : vector<2048x32xf32>
    %mul3A_31 = arith.mulf %slice3A_26, %get3A_21 : vector<2048x32xf32>
    %add3A_32 = arith.addf %mul3A_30, %mul3A_31 : vector<2048x32xf32>
    %concatenate3A_33 = tpu.concatenate %sub3A_29, %add3A_32 in 1 : vector<2048x32xf32>, vector<2048x32xf32> -> vector<2048x64xf32>
    %dot_general3A = arith.constant dense<0.000000e+00> : vector<256x2048xf32>
    %dot_general3A_34 = tpu.matmul %concatenate3A, %concatenate3A_33, %dot_general3A {dimension_numbers = #tpu.dot_dimension_numbers<[1], [1], [0], [0], [0, 0, 1, 0], [], []>, transpose_lhs_hint = false} : vector<256x64xf32>, vector<2048x64xf32>, vector<256x2048xf32> -> vector<256x2048xf32>
    %mul3A_35 = arith.constant 1.250000e-01 : f32
    %mul3A_36 = vector.broadcast %mul3A_35 : f32 to vector<256x2048xf32>
    %mul3A_37 = arith.mulf %dot_general3A_34, %mul3A_36 : vector<256x2048xf32>
    %mul3A_38 = arith.constant 256 : i32
    %mul3A_39 = arith.muli %arg1, %mul3A_38 : i32
    %iota3A = tpu.iota {dimensions = array<i32: 0>} : vector<256x2048xi32>
    %add3A_40 = vector.broadcast %mul3A_39 : i32 to vector<256x2048xi32>
    %add3A_41 = arith.addi %add3A_40, %iota3A : vector<256x2048xi32>
    %iota3A_42 = tpu.iota {dimensions = array<i32: 1>} : vector<256x2048xi32>
    %le3A = arith.cmpi sle, %iota3A_42, %add3A_41 : vector<256x2048xi32>
    %jit3A = arith.constant -1.000000e+09 : f32
    %broadcast_in_dim3A = vector.broadcast %jit3A : f32 to vector<256x2048xf32>
    %select_n3A = arith.select %le3A, %mul3A_37, %broadcast_in_dim3A : vector<256x2048xi1>, vector<256x2048xf32>
    %reduce_max3A = arith.constant dense<0xFF800000> : vector<256xf32>
    %reduce_max3A_43 = vector.multi_reduction <maximumf>, %select_n3A, %reduce_max3A [1] : vector<256x2048xf32> to vector<256xf32>
    %broadcast_in_dim3A_44 = vector.shape_cast %reduce_max3A_43 : vector<256xf32> to vector<256x1xf32>
    %sub3A_45 = vector.broadcast %broadcast_in_dim3A_44 : vector<256x1xf32> to vector<256x2048xf32>
    %sub3A_46 = arith.subf %select_n3A, %sub3A_45 : vector<256x2048xf32>
    %exp3A = math.exp %sub3A_46 : vector<256x2048xf32>
    %reduce_sum3A = arith.constant dense<0.000000e+00> : vector<256xf32>
    %reduce_sum3A_47 = vector.multi_reduction <add>, %exp3A, %reduce_sum3A [1] : vector<256x2048xf32> to vector<256xf32>
    %broadcast_in_dim3A_48 = vector.shape_cast %reduce_sum3A_47 : vector<256xf32> to vector<256x1xf32>
    %div3A = vector.broadcast %broadcast_in_dim3A_48 : vector<256x1xf32> to vector<256x2048xf32>
    %div3A_49 = arith.divf %exp3A, %div3A : vector<256x2048xf32>
    %get3A_50 = arith.constant 0 : index
    %get3A_51 = arith.constant 0 : index
    %get3A_52 = arith.constant 0 : index
    %get3A_53 = vector.load %arg4[%get3A_50, %get3A_51, %get3A_52] : memref<1x2048x64xf32, #tpu.memory_space<vmem>>, vector<1x2048x64xf32>
    %get3A_54 = vector.shape_cast %get3A_53 : vector<1x2048x64xf32> to vector<2048x64xf32>
    %dot_general3A_55 = arith.constant dense<0.000000e+00> : vector<256x64xf32>
    %dot_general3A_56 = tpu.matmul %div3A_49, %get3A_54, %dot_general3A_55 {dimension_numbers = #tpu.dot_dimension_numbers<[1], [0], [0], [1], [0, 0, 1, 1], [], []>, transpose_lhs_hint = false} : vector<256x2048xf32>, vector<2048x64xf32>, vector<256x64xf32> -> vector<256x64xf32>
    %swap3A = arith.constant 0 : index
    %swap3A_57 = arith.constant 0 : index
    %swap3A_58 = arith.constant 0 : index
    %swap3A_59 = vector.load %arg9[%swap3A, %swap3A_57, %swap3A_58] : memref<1x256x64xf32, #tpu.memory_space<vmem>>, vector<1x256x64xf32>
    %swap3A_60 = vector.shape_cast %swap3A_59 : vector<1x256x64xf32> to vector<256x64xf32>
    %swap3A_61 = vector.shape_cast %dot_general3A_56 : vector<256x64xf32> to vector<1x256x64xf32>
    tpu.vector_store %arg9[%swap3A, %swap3A_57, %swap3A_58], %swap3A_61 {strides = array<i32>} : memref<1x256x64xf32, #tpu.memory_space<vmem>>, vector<1x256x64xf32>,
    return
  }
  func.func @transform_0(%arg0: i32, %arg1: i32) -> (i32, i32, i32) {
    %c0_i32 = arith.constant 0 : i32
    %c0_i32_0 = arith.constant 0 : i32
    return %arg0, %arg1, %c0_i32 : i32, i32, i32
  }
  func.func @transform_1(%arg0: i32, %arg1: i32) -> (i32, i32, i32) {
    %c0_i32 = arith.constant 0 : i32
    %c0_i32_0 = arith.constant 0 : i32
    %c0_i32_1 = arith.constant 0 : i32
    return %arg0, %c0_i32, %c0_i32_0 : i32, i32, i32
  }
  func.func @transform_2(%arg0: i32, %arg1: i32) -> (i32, i32, i32) {
    %c0_i32 = arith.constant 0 : i32
    %c0_i32_0 = arith.constant 0 : i32
    %c0_i32_1 = arith.constant 0 : i32
    return %arg0, %c0_i32, %c0_i32_0 : i32, i32, i32
  }
  func.func @transform_3(%arg0: i32, %arg1: i32) -> (i32, i32) {
    %c0_i32 = arith.constant 0 : i32
    %c0_i32_0 = arith.constant 0 : i32
    return %arg1, %c0_i32 : i32, i32
  }
  func.func @transform_4(%arg0: i32, %arg1: i32) -> (i32, i32) {
    %c0_i32 = arith.constant 0 : i32
    %c0_i32_0 = arith.constant 0 : i32
    return %arg1, %c0_i32 : i32, i32
  }
  func.func @transform_5(%arg0: i32, %arg1: i32) -> (i32, i32) {
    %c0_i32 = arith.constant 0 : i32
    %c0_i32_0 = arith.constant 0 : i32
    %c0_i32_1 = arith.constant 0 : i32
    return %c0_i32, %c0_i32_0 : i32, i32
  }
  func.func @transform_6(%arg0: i32, %arg1: i32) -> (i32, i32) {
    %c0_i32 = arith.constant 0 : i32
    %c0_i32_0 = arith.constant 0 : i32
    %c0_i32_1 = arith.constant 0 : i32
    return %c0_i32, %c0_i32_0 : i32, i32
  }
  func.func @transform_7(%arg0: i32, %arg1: i32) -> (i32, i32, i32) {
    %c0_i32 = arith.constant 0 : i32
    %c0_i32_0 = arith.constant 0 : i32
    return %arg0, %arg1, %c0_i32 : i32, i32, i32
  }
}

module attributes {stable_mosaic.version = 14 : i64} {
  func.func @body(%arg0: i32, %arg1: i32, %arg2: i32, %arg3: memref<1x512x64xf32, #tpu.memory_space<vmem>>, %arg4: memref<1x64x512xf32, #tpu.memory_space<vmem>>, %arg5: memref<512x512xf32, #tpu.memory_space<vmem>>, %arg6: memref<512x512xf32, #tpu.memory_space<vmem>>) attributes {dimension_semantics = [#tpu.dimension_semantics<arbitrary>, #tpu.dimension_semantics<arbitrary>, #tpu.dimension_semantics<arbitrary>], iteration_bounds = array<i64: 4, 2, 16>, scalar_prefetch = 0 : i64, scratch_operands = 0 : i64, tpu.core_type = #tpu.core_type<tc>, window_params = [{transform_indices = @transform_0, window_bounds = array<i64: 1, 512, 64>}, {transform_indices = @transform_1, window_bounds = array<i64: 1, 64, 512>}, {transform_indices = @transform_2, window_bounds = array<i64: 512, 512>}, {transform_indices = @transform_3, window_bounds = array<i64: 512, 512>}]} {
    %get3A = arith.constant 0 : index
    %get3A_0 = arith.constant 0 : index
    %get3A_1 = arith.constant 0 : index
    %get3A_2 = vector.load %arg3[%get3A, %get3A_0, %get3A_1] : memref<1x512x64xf32, #tpu.memory_space<vmem>>, vector<1x512x64xf32>
    %get3A_3 = vector.shape_cast %get3A_2 : vector<1x512x64xf32> to vector<512x64xf32>
    %get3A_4 = arith.constant 0 : index
    %get3A_5 = arith.constant 0 : index
    %get3A_6 = arith.constant 0 : index
    %get3A_7 = vector.load %arg4[%get3A_4, %get3A_5, %get3A_6] : memref<1x64x512xf32, #tpu.memory_space<vmem>>, vector<1x64x512xf32>
    %get3A_8 = vector.shape_cast %get3A_7 : vector<1x64x512xf32> to vector<64x512xf32>
    %dot_general3A = arith.constant dense<0.000000e+00> : vector<512x512xf32>
    %dot_general3A_9 = tpu.matmul %get3A_3, %get3A_8, %dot_general3A {dimension_numbers = #tpu.dot_dimension_numbers<[1], [0], [0], [1], [0, 0, 1, 1], [], []>, transpose_lhs_hint = false} : vector<512x64xf32>, vector<64x512xf32>, vector<512x512xf32> -> vector<512x512xf32>
    %eq3A = arith.constant 0 : i32
    %eq3A_10 = arith.cmpi eq, %arg2, %eq3A : i32
    %convert_element_type3A = arith.extui %eq3A_10 : i1 to i32
    %cond3A = arith.constant 0 : i32
    %cond3A_11 = arith.cmpi ne, %convert_element_type3A, %cond3A : i32
    scf.if %cond3A_11 {
      %get3A_16 = arith.constant 0 : index
      %get3A_17 = arith.constant 0 : index
      %get3A_18 = vector.load %arg5[%get3A_16, %get3A_17] : memref<512x512xf32, #tpu.memory_space<vmem>>, vector<512x512xf32>
      %add3A = arith.addf %get3A_18, %dot_general3A_9 : vector<512x512xf32>
      %swap3A = arith.constant 0 : index
      %swap3A_19 = arith.constant 0 : index
      %swap3A_20 = vector.load %arg6[%swap3A, %swap3A_19] : memref<512x512xf32, #tpu.memory_space<vmem>>, vector<512x512xf32>
      tpu.vector_store %arg6[%swap3A, %swap3A_19], %add3A {strides = array<i32>} : memref<512x512xf32, #tpu.memory_space<vmem>>, vector<512x512xf32>,
    } else {
    }
    %gt3A = arith.constant 0 : i32
    %gt3A_12 = arith.cmpi sgt, %arg2, %gt3A : i32
    %convert_element_type3A_13 = arith.extui %gt3A_12 : i1 to i32
    %cond3A_14 = arith.constant 0 : i32
    %cond3A_15 = arith.cmpi ne, %convert_element_type3A_13, %cond3A_14 : i32
    scf.if %cond3A_15 {
      %get3A_16 = arith.constant 0 : index
      %get3A_17 = arith.constant 0 : index
      %get3A_18 = vector.load %arg6[%get3A_16, %get3A_17] : memref<512x512xf32, #tpu.memory_space<vmem>>, vector<512x512xf32>
      %add3A = arith.addf %get3A_18, %dot_general3A_9 : vector<512x512xf32>
      %swap3A = arith.constant 0 : index
      %swap3A_19 = arith.constant 0 : index
      %swap3A_20 = vector.load %arg6[%swap3A, %swap3A_19] : memref<512x512xf32, #tpu.memory_space<vmem>>, vector<512x512xf32>
      tpu.vector_store %arg6[%swap3A, %swap3A_19], %add3A {strides = array<i32>} : memref<512x512xf32, #tpu.memory_space<vmem>>, vector<512x512xf32>,
    } else {
    }
    return
  }
  func.func @transform_0(%arg0: i32, %arg1: i32, %arg2: i32) -> (i32, i32, i32) {
    %c0_i32 = arith.constant 0 : i32
    %c0_i32_0 = arith.constant 0 : i32
    return %arg2, %arg0, %c0_i32 : i32, i32, i32
  }
  func.func @transform_1(%arg0: i32, %arg1: i32, %arg2: i32) -> (i32, i32, i32) {
    %c0_i32 = arith.constant 0 : i32
    %c0_i32_0 = arith.constant 0 : i32
    return %arg2, %c0_i32, %arg1 : i32, i32, i32
  }
  func.func @transform_2(%arg0: i32, %arg1: i32, %arg2: i32) -> (i32, i32) {
    %c0_i32 = arith.constant 0 : i32
    return %arg0, %arg1 : i32, i32
  }
  func.func @transform_3(%arg0: i32, %arg1: i32, %arg2: i32) -> (i32, i32) {
    %c0_i32 = arith.constant 0 : i32
    return %arg0, %arg1 : i32, i32
  }
}

module attributes {stable_mosaic.version = 14 : i64} {
  func.func @body(%arg0: i32, %arg1: i32, %arg2: i32, %arg3: memref<512x1024xf32, #tpu.memory_space<vmem>>, %arg4: memref<1x1024x1024xf32, #tpu.memory_space<vmem>>, %arg5: memref<1x1x1024xf32, #tpu.memory_space<vmem>>, %arg6: memref<1x1024x1024xf32, #tpu.memory_space<vmem>>, %arg7: memref<1x1x1024xf32, #tpu.memory_space<vmem>>, %arg8: memref<512x8xf32, #tpu.memory_space<vmem>>, %arg9: memref<512x1024xf32, #tpu.memory_space<vmem>>, %arg10: memref<512x1024xf32, #tpu.memory_space<vmem>>) attributes {dimension_semantics = [#tpu.dimension_semantics<arbitrary>, #tpu.dimension_semantics<arbitrary>, #tpu.dimension_semantics<arbitrary>], iteration_bounds = array<i64: 4, 8, 4>, scalar_prefetch = 0 : i64, scratch_operands = 0 : i64, tpu.core_type = #tpu.core_type<tc>, window_params = [{transform_indices = @transform_0, window_bounds = array<i64: 512, 1024>}, {transform_indices = @transform_1, window_bounds = array<i64: 1, 1024, 1024>}, {transform_indices = @transform_2, window_bounds = array<i64: 1, 1, 1024>}, {transform_indices = @transform_3, window_bounds = array<i64: 1, 1024, 1024>}, {transform_indices = @transform_4, window_bounds = array<i64: 1, 1, 1024>}, {transform_indices = @transform_5, window_bounds = array<i64: 512, 8>}, {transform_indices = @transform_6, window_bounds = array<i64: 512, 1024>}, {transform_indices = @transform_7, window_bounds = array<i64: 512, 1024>}]} {
    %eq3A = arith.constant 0 : i32
    %eq3A_0 = arith.cmpi eq, %arg1, %eq3A : i32
    %eq3A_1 = arith.constant 0 : i32
    %eq3A_2 = arith.cmpi eq, %arg2, %eq3A_1 : i32
    %and3A = arith.andi %eq3A_0, %eq3A_2 : i1
    %convert_element_type3A = arith.extui %and3A : i1 to i32
    %cond3A = arith.constant 0 : i32
    %cond3A_3 = arith.cmpi ne, %convert_element_type3A, %cond3A : i32
    scf.if %cond3A_3 {
      %get3A_58 = arith.constant 0 : index
      %get3A_59 = arith.constant 0 : index
      %get3A_60 = vector.load %arg9[%get3A_58, %get3A_59] : memref<512x1024xf32, #tpu.memory_space<vmem>>, vector<512x1024xf32>
      %swap3A = arith.constant 0 : index
      %swap3A_61 = arith.constant 0 : index
      %swap3A_62 = vector.load %arg10[%swap3A, %swap3A_61] : memref<512x1024xf32, #tpu.memory_space<vmem>>, vector<512x1024xf32>
      tpu.vector_store %arg10[%swap3A, %swap3A_61], %get3A_60 {strides = array<i32>} : memref<512x1024xf32, #tpu.memory_space<vmem>>, vector<512x1024xf32>,
    } else {
    }
    %get3A = arith.constant 0 : index
    %get3A_4 = arith.constant 0 : index
    %get3A_5 = vector.load %arg8[%get3A, %get3A_4] : memref<512x8xf32, #tpu.memory_space<vmem>>, vector<512x8xf32>
    %iota3A = tpu.iota {dimensions = array<i32: 1>} : vector<1x8xi32>
    %eq3A_6 = vector.broadcast %arg1 : i32 to vector<1x8xi32>
    %eq3A_7 = arith.cmpi eq, %iota3A, %eq3A_6 : vector<1x8xi32>
    %convert_element_type3A_8 = arith.extui %eq3A_7 : vector<1x8xi1> to vector<1x8xi32>
    %convert_element_type3A_9 = arith.sitofp %convert_element_type3A_8 : vector<1x8xi32> to vector<1x8xf32>
    %mul3A = vector.broadcast %convert_element_type3A_9 : vector<1x8xf32> to vector<512x8xf32>
    %mul3A_10 = arith.mulf %get3A_5, %mul3A : vector<512x8xf32>
    %reduce_sum3A = arith.constant dense<0.000000e+00> : vector<512xf32>
    %reduce_sum3A_11 = vector.multi_reduction <add>, %mul3A_10, %reduce_sum3A [1] : vector<512x8xf32> to vector<512xf32>
    %broadcast_in_dim3A = vector.shape_cast %reduce_sum3A_11 : vector<512xf32> to vector<512x1xf32>
    %get3A_12 = arith.constant 0 : index
    %get3A_13 = arith.constant 0 : index
    %get3A_14 = vector.load %arg3[%get3A_12, %get3A_13] : memref<512x1024xf32, #tpu.memory_space<vmem>>, vector<512x1024xf32>
    %get3A_15 = arith.constant 0 : index
    %get3A_16 = arith.constant 0 : index
    %get3A_17 = arith.constant 0 : index
    %get3A_18 = vector.load %arg4[%get3A_15, %get3A_16, %get3A_17] : memref<1x1024x1024xf32, #tpu.memory_space<vmem>>, vector<1x1024x1024xf32>
    %get3A_19 = vector.shape_cast %get3A_18 : vector<1x1024x1024xf32> to vector<1024x1024xf32>
    %dot_general3A = arith.constant dense<0.000000e+00> : vector<512x1024xf32>
    %dot_general3A_20 = tpu.matmul %get3A_14, %get3A_19, %dot_general3A {dimension_numbers = #tpu.dot_dimension_numbers<[1], [0], [0], [1], [0, 0, 1, 1], [], []>, transpose_lhs_hint = false} : vector<512x1024xf32>, vector<1024x1024xf32>, vector<512x1024xf32> -> vector<512x1024xf32>
    %get3A_21 = arith.constant 0 : index
    %get3A_22 = arith.constant 0 : index
    %get3A_23 = arith.constant 0 : index
    %get3A_24 = vector.load %arg5[%get3A_21, %get3A_22, %get3A_23] : memref<1x1x1024xf32, #tpu.memory_space<vmem>>, vector<1x1x1024xf32>
    %get3A_25 = vector.shape_cast %get3A_24 : vector<1x1x1024xf32> to vector<1x1024xf32>
    %add3A = vector.broadcast %get3A_25 : vector<1x1024xf32> to vector<512x1024xf32>
    %add3A_26 = arith.addf %dot_general3A_20, %add3A : vector<512x1024xf32>
    %integer_pow3A = arith.mulf %add3A_26, %add3A_26 : vector<512x1024xf32>
    %integer_pow3A_27 = arith.mulf %add3A_26, %integer_pow3A : vector<512x1024xf32>
    %mul3A_28 = arith.constant 4.471500e-02 : f32
    %mul3A_29 = vector.broadcast %mul3A_28 : f32 to vector<512x1024xf32>
    %mul3A_30 = arith.mulf %mul3A_29, %integer_pow3A_27 : vector<512x1024xf32>
    %add3A_31 = arith.addf %add3A_26, %mul3A_30 : vector<512x1024xf32>
    %mul3A_32 = arith.constant 0.797884583 : f32
    %mul3A_33 = vector.broadcast %mul3A_32 : f32 to vector<512x1024xf32>
    %mul3A_34 = arith.mulf %mul3A_33, %add3A_31 : vector<512x1024xf32>
    %tanh3A = math.tanh %mul3A_34 : vector<512x1024xf32>
    %add3A_35 = arith.constant 1.000000e+00 : f32
    %add3A_36 = vector.broadcast %add3A_35 : f32 to vector<512x1024xf32>
    %add3A_37 = arith.addf %add3A_36, %tanh3A : vector<512x1024xf32>
    %mul3A_38 = arith.constant 5.000000e-01 : f32
    %mul3A_39 = vector.broadcast %mul3A_38 : f32 to vector<512x1024xf32>
    %mul3A_40 = arith.mulf %mul3A_39, %add3A_37 : vector<512x1024xf32>
    %mul3A_41 = arith.mulf %add3A_26, %mul3A_40 : vector<512x1024xf32>
    %get3A_42 = arith.constant 0 : index
    %get3A_43 = arith.constant 0 : index
    %get3A_44 = arith.constant 0 : index
    %get3A_45 = vector.load %arg6[%get3A_42, %get3A_43, %get3A_44] : memref<1x1024x1024xf32, #tpu.memory_space<vmem>>, vector<1x1024x1024xf32>
    %get3A_46 = vector.shape_cast %get3A_45 : vector<1x1024x1024xf32> to vector<1024x1024xf32>
    %dot_general3A_47 = arith.constant dense<0.000000e+00> : vector<512x1024xf32>
    %dot_general3A_48 = tpu.matmul %mul3A_41, %get3A_46, %dot_general3A_47 {dimension_numbers = #tpu.dot_dimension_numbers<[1], [0], [0], [1], [0, 0, 1, 1], [], []>, transpose_lhs_hint = false} : vector<512x1024xf32>, vector<1024x1024xf32>, vector<512x1024xf32> -> vector<512x1024xf32>
    %eq3A_49 = arith.constant 0 : i32
    %eq3A_50 = arith.cmpi eq, %arg2, %eq3A_49 : i32
    %convert_element_type3A_51 = arith.extui %eq3A_50 : i1 to i32
    %cond3A_52 = arith.constant 0 : i32
    %cond3A_53 = arith.cmpi ne, %convert_element_type3A_51, %cond3A_52 : i32
    scf.if %cond3A_53 {
      %get3A_58 = arith.constant 0 : index
      %get3A_59 = arith.constant 0 : index
      %get3A_60 = vector.load %arg10[%get3A_58, %get3A_59] : memref<512x1024xf32, #tpu.memory_space<vmem>>, vector<512x1024xf32>
      %get3A_61 = arith.constant 0 : index
      %get3A_62 = arith.constant 0 : index
      %get3A_63 = arith.constant 0 : index
      %get3A_64 = vector.load %arg7[%get3A_61, %get3A_62, %get3A_63] : memref<1x1x1024xf32, #tpu.memory_space<vmem>>, vector<1x1x1024xf32>
      %get3A_65 = vector.shape_cast %get3A_64 : vector<1x1x1024xf32> to vector<1x1024xf32>
      %add3A_66 = vector.broadcast %get3A_65 : vector<1x1024xf32> to vector<512x1024xf32>
      %add3A_67 = arith.addf %dot_general3A_48, %add3A_66 : vector<512x1024xf32>
      %mul3A_68 = vector.broadcast %broadcast_in_dim3A : vector<512x1xf32> to vector<512x1024xf32>
      %mul3A_69 = arith.mulf %mul3A_68, %add3A_67 : vector<512x1024xf32>
      %add3A_70 = arith.addf %get3A_60, %mul3A_69 : vector<512x1024xf32>
      %swap3A = arith.constant 0 : index
      %swap3A_71 = arith.constant 0 : index
      %swap3A_72 = vector.load %arg10[%swap3A, %swap3A_71] : memref<512x1024xf32, #tpu.memory_space<vmem>>, vector<512x1024xf32>
      tpu.vector_store %arg10[%swap3A, %swap3A_71], %add3A_70 {strides = array<i32>} : memref<512x1024xf32, #tpu.memory_space<vmem>>, vector<512x1024xf32>,
    } else {
    }
    %gt3A = arith.constant 0 : i32
    %gt3A_54 = arith.cmpi sgt, %arg2, %gt3A : i32
    %convert_element_type3A_55 = arith.extui %gt3A_54 : i1 to i32
    %cond3A_56 = arith.constant 0 : i32
    %cond3A_57 = arith.cmpi ne, %convert_element_type3A_55, %cond3A_56 : i32
    scf.if %cond3A_57 {
      %get3A_58 = arith.constant 0 : index
      %get3A_59 = arith.constant 0 : index
      %get3A_60 = vector.load %arg10[%get3A_58, %get3A_59] : memref<512x1024xf32, #tpu.memory_space<vmem>>, vector<512x1024xf32>
      %mul3A_61 = vector.broadcast %broadcast_in_dim3A : vector<512x1xf32> to vector<512x1024xf32>
      %mul3A_62 = arith.mulf %mul3A_61, %dot_general3A_48 : vector<512x1024xf32>
      %add3A_63 = arith.addf %get3A_60, %mul3A_62 : vector<512x1024xf32>
      %swap3A = arith.constant 0 : index
      %swap3A_64 = arith.constant 0 : index
      %swap3A_65 = vector.load %arg10[%swap3A, %swap3A_64] : memref<512x1024xf32, #tpu.memory_space<vmem>>, vector<512x1024xf32>
      tpu.vector_store %arg10[%swap3A, %swap3A_64], %add3A_63 {strides = array<i32>} : memref<512x1024xf32, #tpu.memory_space<vmem>>, vector<512x1024xf32>,
    } else {
    }
    return
  }
  func.func @transform_0(%arg0: i32, %arg1: i32, %arg2: i32) -> (i32, i32) {
    %c0_i32 = arith.constant 0 : i32
    %c0_i32_0 = arith.constant 0 : i32
    return %arg0, %c0_i32 : i32, i32
  }
  func.func @transform_1(%arg0: i32, %arg1: i32, %arg2: i32) -> (i32, i32, i32) {
    %c0_i32 = arith.constant 0 : i32
    %c0_i32_0 = arith.constant 0 : i32
    return %arg1, %c0_i32, %arg2 : i32, i32, i32
  }
  func.func @transform_2(%arg0: i32, %arg1: i32, %arg2: i32) -> (i32, i32, i32) {
    %c0_i32 = arith.constant 0 : i32
    %c0_i32_0 = arith.constant 0 : i32
    return %arg1, %c0_i32, %arg2 : i32, i32, i32
  }
  func.func @transform_3(%arg0: i32, %arg1: i32, %arg2: i32) -> (i32, i32, i32) {
    %c0_i32 = arith.constant 0 : i32
    %c0_i32_0 = arith.constant 0 : i32
    return %arg1, %arg2, %c0_i32 : i32, i32, i32
  }
  func.func @transform_4(%arg0: i32, %arg1: i32, %arg2: i32) -> (i32, i32, i32) {
    %c0_i32 = arith.constant 0 : i32
    %c0_i32_0 = arith.constant 0 : i32
    %c0_i32_1 = arith.constant 0 : i32
    return %arg1, %c0_i32, %c0_i32_0 : i32, i32, i32
  }
  func.func @transform_5(%arg0: i32, %arg1: i32, %arg2: i32) -> (i32, i32) {
    %c0_i32 = arith.constant 0 : i32
    %c0_i32_0 = arith.constant 0 : i32
    return %arg0, %c0_i32 : i32, i32
  }
  func.func @transform_6(%arg0: i32, %arg1: i32, %arg2: i32) -> (i32, i32) {
    %c0_i32 = arith.constant 0 : i32
    %c0_i32_0 = arith.constant 0 : i32
    return %arg0, %c0_i32 : i32, i32
  }
  func.func @transform_7(%arg0: i32, %arg1: i32, %arg2: i32) -> (i32, i32) {
    %c0_i32 = arith.constant 0 : i32
    %c0_i32_0 = arith.constant 0 : i32
    return %arg0, %c0_i32 : i32, i32
  }
}

module attributes {stable_mosaic.version = 14 : i64} {
  func.func @body(%arg0: i32, %arg1: i32, %arg2: memref<512x1024xf32, #tpu.memory_space<vmem>>, %arg3: memref<1024x1280xf32, #tpu.memory_space<vmem>>, %arg4: memref<8x128xf32, #tpu.memory_space<vmem>>, %arg5: memref<512x1280xf32, #tpu.memory_space<vmem>>) attributes {dimension_semantics = [#tpu.dimension_semantics<arbitrary>, #tpu.dimension_semantics<arbitrary>], iteration_bounds = array<i64: 4, 25>, scalar_prefetch = 0 : i64, scratch_operands = 0 : i64, tpu.core_type = #tpu.core_type<tc>, window_params = [{transform_indices = @transform_0, window_bounds = array<i64: 512, 1024>}, {transform_indices = @transform_1, window_bounds = array<i64: 1024, 1280>}, {transform_indices = @transform_2, window_bounds = array<i64: 8, 128>}, {transform_indices = @transform_3, window_bounds = array<i64: 512, 1280>}]} {
    %get3A = arith.constant 0 : index
    %get3A_0 = arith.constant 0 : index
    %get3A_1 = vector.load %arg2[%get3A, %get3A_0] : memref<512x1024xf32, #tpu.memory_space<vmem>>, vector<512x1024xf32>
    %get3A_2 = arith.constant 0 : index
    %get3A_3 = arith.constant 0 : index
    %get3A_4 = vector.load %arg3[%get3A_2, %get3A_3] : memref<1024x1280xf32, #tpu.memory_space<vmem>>, vector<1024x1280xf32>
    %dot_general3A = arith.constant dense<0.000000e+00> : vector<512x1280xf32>
    %dot_general3A_5 = tpu.matmul %get3A_1, %get3A_4, %dot_general3A {dimension_numbers = #tpu.dot_dimension_numbers<[1], [0], [0], [1], [0, 0, 1, 1], [], []>, transpose_lhs_hint = false} : vector<512x1024xf32>, vector<1024x1280xf32>, vector<512x1280xf32> -> vector<512x1280xf32>
    %get3A_6 = arith.constant 0 : index
    %get3A_7 = arith.constant 0 : index
    %get3A_8 = vector.load %arg4[%get3A_6, %get3A_7] : memref<8x128xf32, #tpu.memory_space<vmem>>, vector<1x1xf32>
    %get3A_9 = vector.extract %get3A_8[0, 0] : f32 from vector<1x1xf32>
    %mul3A = arith.constant 0.000000e+00 : f32
    %mul3A_10 = arith.mulf %mul3A, %get3A_9 : f32
    %add3A = vector.broadcast %mul3A_10 : f32 to vector<512x1280xf32>
    %add3A_11 = arith.addf %dot_general3A_5, %add3A : vector<512x1280xf32>
    %swap3A = arith.constant 0 : index
    %swap3A_12 = arith.constant 0 : index
    %swap3A_13 = vector.load %arg5[%swap3A, %swap3A_12] : memref<512x1280xf32, #tpu.memory_space<vmem>>, vector<512x1280xf32>
    tpu.vector_store %arg5[%swap3A, %swap3A_12], %add3A_11 {strides = array<i32>} : memref<512x1280xf32, #tpu.memory_space<vmem>>, vector<512x1280xf32>,
    return
  }
  func.func @transform_0(%arg0: i32, %arg1: i32) -> (i32, i32) {
    %c0_i32 = arith.constant 0 : i32
    %c0_i32_0 = arith.constant 0 : i32
    return %arg0, %c0_i32 : i32, i32
  }
  func.func @transform_1(%arg0: i32, %arg1: i32) -> (i32, i32) {
    %c0_i32 = arith.constant 0 : i32
    %c0_i32_0 = arith.constant 0 : i32
    return %c0_i32, %arg1 : i32, i32
  }
  func.func @transform_2(%arg0: i32, %arg1: i32) -> (i32, i32) {
    %c0_i32 = arith.constant 0 : i32
    %c0_i32_0 = arith.constant 0 : i32
    %c0_i32_1 = arith.constant 0 : i32
    return %c0_i32, %c0_i32_0 : i32, i32
  }
  func.func @transform_3(%arg0: i32, %arg1: i32) -> (i32, i32) {
    %c0_i32 = arith.constant 0 : i32
    return %arg0, %arg1 : i32, i32
  }
}

</mosaic_0001>

<sc_bundles>
// kernel: gather_offload_async_start
scs
__scs_entry_jumppad:
0x0: {  	(pc) =	sbr.rel $0x88, $3  }
0x1: {  	(tag) =	ssettag $0x0;
	lr =	simm.s32 $0x1  }
0x2: {  	[smem:$0x3F80] =	sst lr;
	_ =	strace $0xD0000000  }
0x3: {  	_ = 	snop  }
0x4: {  	_ = 	snop  }
0x5: {  	_ = 	snop  }
0x6: {  	_ = 	snop  }
0x7: {  	_ = 	snop  }
__scs_overlays_trampoline_lowered:
0x8: {  	[smem:$0x3F8F] =	sst s0  }
0x9: {  	[smem:$0x3F90] =	sst s1  }
0xa: {  	[smem:$0x3F91] =	sst s2  }
0xb: {  	[smem:$0x3F92] =	sst s3  }
0xc: {  	[smem:$0x3F93] =	sst s4  }
0xd: {  	[smem:$0x3F94] =	sst s5  }
0xe: {  	[smem:$0x3F95] =	sst s6  }
0xf: {  	[smem:$0x3F96] =	sst s7  }
0x10: {  	[smem:$0x3F97] =	sst s8  }
0x11: {  	[smem:$0x3F98] =	sst s9;
	s0 =	simm.s32 @!p0 $0x0  }
0x12: {  	s1 =	sld [smem:$0x3F7E];
	s0 =	simm.s32 @p0 $0x1  }
0x13: {  	[smem:$0x3F99] =	sst s0;
	s0 =	simm.s32 @!p1 $0x0  }
0x14: {  	s2 =	sld [smem:$0x3F7D];
	s0 =	simm.s32 @p1 $0x1  }
0x15: {  	[smem:$0x3F9A] =	sst s0;
	s0 =	simm.s32 @!p2 $0x0  }
0x16: {  	s3 =	sld [smem:$0x3FDB];
	s0 =	simm.s32 @p2 $0x1  }
0x17: {  	s4 =	simm.s32 $0x1BF5;
	[smem:$0x3F9C] =	sst s0  }
0x18: {  	s0 =	sld [smem:$0x3F7F];
	_ =	swait.ge [sflag:s4], $0x0  }
0x19: {  	s7 =	sld [smem:$0x3F80]  }
0x1a: {  	s8 =	sadd.s32 $0xFFFFE003, lr  }
0x1b: {  	s9 =	sadd.s32 $0xFFFFFEF7, lr;
	s5 =	simm.s32 $0xFFFFFFFF;
	p2 =	slt.u32 s8, $0xFFFFF086  }
0x1c: {  	p1 =	slt.u32 s9, $0xF7A;
	s5 =	simm.s32 @!p2 $0x0  }
0x1d: {  	s5 =	simm.s32 @p1 $0x1;
	p0 =	seq.s32 s7, s2  }
0x1e: {  	s7 =	smul.u32 @!p0 $0xF7A, s2;
	p2 =	seq.s32 @!p0 s5, $0x0  }
0x1f: {  	s9 =	smul.u32 $0xF7A, s1;
	s8 =	simm.s32 @!p0 $0x1BF5;
	p2 =	por !p2, p0  }
0x20: {  	[sflag:s8] =	ssyncset.s32 @!p0 $0xFFFFF086;
	s6 =	sadd.s32 @!p0 s3, s7;
	s7 =	simm.s32 @!p0 $0x108  }
0x21: {  	s3 =	sadd.s32 s3, s9;
	s6 =	sadd.s32 @!p0 $0x88, s6;
	s7 =	simm.s32 @p2 $0x1082  }
0x22: {  	[simem:s7], [sflag:s8] =	dma.local @!p0 [hbm:s6], $0xF7A  }
0x23: {  	s9 =	sor.u32 $0xD0000000, s2;
	s6 =	simm.s32 $0x108;
	_ =	swait.ge @!p0 [sflag:s8], $0x0  }
0x24: {  	s3 =	sadd.s32 $0x88, s3;
	s6 =	simm.s32 @!p1 $0x1082;
	[sflag:s4] =	ssyncset.s32 $0xFFFFF086  }
0x25: {  	[simem:s6], [sflag:s4] =	dma.local [hbm:s3], $0xF7A  }
0x26: {  	[smem:$0x3F80] =	sst s1;
	(tag) =	ssettag s2;
	_ =	strace s9  }
0x27: {  	s1 =	sld [smem:$0x3F90]  }
0x28: {  	s2 =	sld [smem:$0x3F91]  }
0x29: {  	s4 =	sld [smem:$0x3F93]  }
0x2a: {  	p0 =	seq.s32 s5, $0x0;
	s5 =	sld [smem:$0x3F94]  }
0x2b: {  	s6 =	sld [smem:$0x3F95]  }
0x2c: {  	s7 =	sld [smem:$0x3F96]  }
0x2d: {  	s3 =	simm.s32 $0x108;
	s8 =	sld [smem:$0x3F97]  }
0x2e: {  	s3 =	simm.s32 @!p0 $0x1082;
	s9 =	sld [smem:$0x3F98]  }
0x2f: {  	lr =	sadd.s32 s0, s3;
	s0 =	sld [smem:$0x3F8F]  }
0x30: {  	s3 =	sld [smem:$0x3F92]  }
0x31: {  	[smem:$0x3F9B] =	sst s10  }
0x32: {  	s10 =	sld [smem:$0x3F99];
	_ =	sdelay $0x3  }
0x33: {  	p0 =	seq.s32 s10, $0x1;
	s10 =	sld [smem:$0x3F9B];
	_ =	sdelay $0x3  }
0x34: {  	[smem:$0x3F9B] =	sst s10  }
0x35: {  	s10 =	sld [smem:$0x3F9A];
	_ =	sdelay $0x3  }
0x36: {  	p1 =	seq.s32 s10, $0x1;
	s10 =	sld [smem:$0x3F9B];
	_ =	sdelay $0x3  }
0x37: {  	[smem:$0x3F9B] =	sst s10  }
0x38: {  	s10 =	sld [smem:$0x3F9C]  }
0x39: {  	_ = 	snop;
	(pc) =	sbr.ind lr, $3  }
0x3a: {  	_ = 	snop  }
0x3b: {  	_ = 	snop  }
0x3c: {  	p2 =	seq.s32 s10, $0x1;
	s10 =	sld [smem:$0x3F9B]  }
0x3d: {  	_ =	shalt  }
0x3e: {  	_ =	shalt  }
0x3f: {  	_ =	shalt  }
0x40: {  	_ =	shalt  }
0x41: {  	_ =	shalt  }
0x42: {  	_ =	shalt  }
0x43: {  	_ =	shalt  }
0x44: {  	_ =	shalt  }
0x45: {  	_ =	shalt  }
0x46: {  	_ =	shalt  }
0x47: {  	_ =	shalt  }
0x48: {  	_ =	shalt  }
0x49: {  	_ =	shalt  }
0x4a: {  	_ =	shalt  }
0x4b: {  	_ =	shalt  }
0x4c: {  	_ =	shalt  }
0x4d: {  	_ =	shalt  }
0x4e: {  	_ =	shalt  }
0x4f: {  	_ =	shalt  }
0x50: {  	_ =	shalt  }
0x51: {  	_ =	shalt  }
0x52: {  	_ =	shalt  }
0x53: {  	_ =	shalt  }
0x54: {  	_ =	shalt  }
0x55: {  	_ =	shalt  }
0x56: {  	_ =	shalt  }
0x57: {  	_ =	shalt  }
0x58: {  	_ =	shalt  }
0x59: {  	_ =	shalt  }
0x5a: {  	_ =	shalt  }
0x5b: {  	_ =	shalt  }
0x5c: {  	_ =	shalt  }
0x5d: {  	_ =	shalt  }
0x5e: {  	_ =	shalt  }
0x5f: {  	_ =	shalt  }
0x60: {  	_ =	shalt  }
0x61: {  	_ =	shalt  }
0x62: {  	_ =	shalt  }
0x63: {  	_ =	shalt  }
0x64: {  	_ =	shalt  }
0x65: {  	_ =	shalt  }
0x66: {  	_ =	shalt  }
0x67: {  	_ =	shalt  }
0x68: {  	_ =	shalt  }
0x69: {  	_ =	shalt  }
0x6a: {  	_ =	shalt  }
0x6b: {  	_ =	shalt  }
0x6c: {  	_ =	shalt  }
0x6d: {  	_ =	shalt  }
0x6e: {  	_ =	shalt  }
0x6f: {  	_ =	shalt  }
0x70: {  	_ =	shalt  }
0x71: {  	_ =	shalt  }
0x72: {  	_ =	shalt  }
0x73: {  	_ =	shalt  }
0x74: {  	_ =	shalt  }
0x75: {  	_ =	shalt  }
0x76: {  	_ =	shalt  }
0x77: {  	_ =	shalt  }
0x78: {  	_ =	shalt  }
0x79: {  	_ =	shalt  }
0x7a: {  	_ =	shalt  }
0x7b: {  	_ =	shalt  }
0x7c: {  	_ =	shalt  }
0x7d: {  	_ =	shalt  }
0x7e: {  	_ =	shalt  }
0x7f: {  	_ =	shalt  }
0x80: {  	_ =	shalt  }
0x81: {  	_ =	shalt  }
0x82: {  	_ =	shalt  }
0x83: {  	_ =	shalt  }
0x84: {  	_ =	shalt  }
0x85: {  	_ =	shalt  }
0x86: {  	_ =	shalt  }
0x87: {  	_ =	shalt  }
.Lfunc_end0:
.L_simem_size_0:
called_computation_lowered:
.L_overlay_start_0:
0x88: {  	s2 =	sld [smem:$0x3FD9]  }
0x89: {  	s3 =	sld [smem:$0x3FFE];
	_ =	sdelay $0x1  }
0x8a: {  	s1 =	srdreg.scid  }
0x8b: {  	s0 =	sand.u32 $0x1, s1  }
0x8c: {  	s17 =	sshll.u32 s0, $0xA;
	s2 =	sadd.s32 s3, s2  }
0x8d: {  	s2 =	sadd.s32 s2, s17  }
0x8e: {  	[smem:$0x3FA7] =	sst s2  }
0x8f: {  	_ = 	snop  }
0x90: {  	s2 =	sld [smem:$0x3FC9]  }
0x91: {  	s18 =	sld [smem:$0x3FD0];
	(tm) =	ssettm $0x1  }
0x92: {  	s4 =	sld [smem:$0x3FFB];
	_ =	sdelay $0x3  }
0x93: {  	_ =	strace s4  }
0x94: {  	s4 =	sld [smem:$0x3FFC];
	_ =	sdelay $0x3  }
0x95: {  	_ =	strace s4  }
0x96: {  	s4 =	sld [smem:$0x3FFD];
	_ =	sdelay $0x3  }
0x97: {  	_ =	strace s4  }
0x98: {  	_ =	strace $0x8FFFFFFF  }
0x99: {  	s19 =	sld [smem:$0x3FDB];
	_ =	sdelay $0x1  }
0x9a: {  	s5 =	simm.s32 $_scs_section_size  }
0x9b: {  	s6 =	simm.s32 $_size__tile_overlayer_lowered;
	s7 =	simm.s32 $_tile_overlayer_lowered  }
0x9c: {  	s22 =	simm.s32 $0x1BFF;
	s21 =	sshll.u32 s7, $0x1;
	s4 =	sadd.s32 s5, s19  }
0x9d: {  	s8 =	simm.s32 $0x0;
	s20 =	sshll.u32 s6, $0x1;
	s6 =	sadd.s32 s21, s4  }
0x9e: {  	[timem:s8], [sflag:s22] =	dma.local [hbm:s6], s20  }
0x9f: {  	_ =	swait.ge [sflag:s22], s20  }
0xa0: {  	s5 =	ssub.s32 $0x0, s20;
	[sflag:s22] =	ssyncset.done $0x0  }
0xa1: {  	[sflag:s22] =	ssyncadd.s32 s5;
	_ =	sdelay $0x1  }
0xa2: {  	s23 =	simm.s32 $0x1B8B  }
0xa3: {  	_ =	swait.ge [sflag:s23], $0x1  }
0xa4: {  	[sflag:s23] =	ssyncset.done $0x0  }
0xa5: {  	s25 =	simm.s32 $0x1B8E;
	s24 =	sld [smem:$0x3FFE];
	[sflag:s23] =	ssyncadd.s32 $0xFFFFFFFF  }
0xa6: {  	s26 =	simm.s32 $execute0_lowered;
	[smem:$0x3FD2] =	sst s25  }
0xa7: {  	s6 =	sshll.u32 s26, $0x1;
	_ =	strace $0x80000046;
	[dreg:$0x1] =	wrdreg $0xFFFFFFFF  }
0xa8: {  	s28 =	simm.s32 $_size_execute0_lowered;
	s4 =	sadd.s32 s4, s6;
	[dreg:$0x0] =	wrdreg $0x0  }
0xa9: {  	s6 =	sshll.u32 s28, $0x1;
	[dreg:$0x2] =	wrdreg s4  }
0xaa: {  	[dreg:$0x3] =	wrdreg s6  }
0xab: {  	[dreg:$0x4] =	wrdreg $0xC0  }
0xac: {  	_ =	task [dreg:s8], $0x5FFFF  }
0xad: {  	[dreg:$0x1] =	wrdreg $0xFFFFFFFF  }
0xae: {  	[dreg:$0x0] =	wrdreg $0x60  }
0xaf: {  	[dreg:$0x2] =	wrdreg s2  }
0xb0: {  	[dreg:$0x3] =	wrdreg s18  }
0xb1: {  	[dreg:$0x4] =	wrdreg s24  }
0xb2: {  	[dreg:$0x5] =	wrdreg $0x9  }
0xb3: {  	_ =	task.clear_ibuf [dreg:s8], $0x6FFFF;
	_ =	strace $0x90000046  }
0xb4: {  	s29 =	simm.s32 $0x9;
	_ =	strace $0x80000048  }
0xb5: {  	_ =	swait.ge [sflag:s29], $0x1  }
0xb6: {  	[sflag:s29] =	ssyncadd.s32 $0xFFFFFFFF  }
0xb7: {  	_ =	strace $0x90000048  }
0xb8: {  	_ =	sfence  }
0xb9: {  	s30 =	sld [smem:$0x0];
	_ =	sdelay $0x2  }
0xba: {  	s31 =	sshll.u32 s1, $0xD;
	s1 =	sshrl.u32 s1, $0x2  }
0xbb: {  	s3 =	sand.u32 $0x4000, s31;
	s1 =	sadd.s32 s1, s30  }
0xbc: {  	s0 =	sor.u32 s3, s0;
	s1 =	sshll.u32 s1, $0x11  }
0xbd: {  	s0 =	sor.u32 s1, s0  }
0xbe: {  	s0 =	sadd.s32 $0x8F2B, s0  }
0xbf: {  	[sflag:s0] =	ssyncadd.remote.s32 $0x1  }
0xc0: {  	_ =	sfence.sel $0xFFFF  }
0xc1: {  	[dreg:$0x0] =	wrdreg $0xFFFFFFFF;
	(pc) =	sbr.abs _section_cstart, $3  }
0xc2: {  	[dreg:$0x1] =	wrdreg $0xFFFFFFFF  }
0xc3: {  	_ =	task.clear_ibuf [dreg:s8], $0x2FFFF;
	_ =	strace $0x9FFFFFFF  }
0xc4: {  	(tm) =	ssettm $0x7FFFFFFF  }
0xc5: {  	_ =	shalt  }
tec
execute0_lowered:
.L_overlay_start_1:
0x0: {  	(tag) =	ssettag $0x1  }
0x1: {  	s2 =	rddreg [dreg:$0x0]  }
0x2: {  	s3 =	rddreg [dreg:$0x1]  }
0x3: {  	s7 =	rddreg [dreg:$0x2]  }
0x4: {  	s0 =	rddreg [dreg:$0x3];
	s1 =	srdreg.scid;
	_ =	strace $0x80000047  }
0x5: {  	s4 =	simm.s32 $0x1;
	s9 =	simm.s32 $0x3;
	s5 =	sshll.u32 s1, $0x4  }
.Ltmp0:
0x6: {  	s1 =	stileid.u32;
	s5 =	sand.u32 $0x10, s5;
	(pc) =	sbr.rel .LBB2_1-.Ltmp0, $4  }
0x7: {  	s11 =	simm.s32 $0x0;
	p0 =	por $0x0, $0x0;
	s6 =	sor.u32 s1, s5  }
0x8: {  	[sflag:s4] =	ssyncpa.u1 $0x0;
	s5 =	simm.s32 $0x2;
	s6 =	sshll.u32 s6, $0x6  }
0x9: {  	s7 =	sadd.s32 $0x1400, s7;
	[sflag:s5] =	ssyncpa.u1 $0x0;
	s8 =	sadd.s32 $0x40, s6  }
0xa: {  	vm0 =	vmmov $0xff;
	vm1 =	vcmask $0x3F20;
	[sflag:s9] =	ssyncpa.u1 $0x0;
	s10 =	smov.u32 s6;
	s9 =	simm.s32 $0x0  }
.LBB2_9:
0xb: {  	p1 =	slt.u32 s9, $0x2;
	s11 =	sadd.s32 $0x20, s10  }
0xc: {  	s13 =	smov.u32 s6;
	s9 =	sadd.s32 $0x1, s9;
	p2 =	slt.s32 s11, s8  }
0xd: {  	s13 =	smov.u32 @p2 s11;
	p2 =	sne.s32 s9, $0x4  }
.Ltmp1:
0xe: {  	_ = 	snop;
	(pc) =	sbr.rel @!p2 .LBB2_10-.Ltmp1, $4  }
0xf: {  	s12 =	simm.s32 @!p1 $0x3  }
0x10: {  	_ =	swait.ge @!p1 [sflag:s12], $0x8000  }
0x11: {  	p0 =	por !p0, !p0;
	[sflag:s12] =	ssyncset.done @!p1 $0x0  }
0x12: {  	s11 =	smov.u32 s10;
	s10 =	smov.u32 s13;
	[sflag:s12] =	ssyncadd.s32 @!p1 $0xFFFF8000  }
.LBB2_1:
0x13: {  	p1 =	sgt.u32 s9, $0x1  }
0x14: {  	s12 =	sshll.u32 @!p1 s9, $0x5;
	s13 =	sshrl.u32 @!p1 s10, $0x3  }
0x15: {  	s14 =	sand.u32 @!p1 $0x7, s10;
	s12 =	sxor.u32 @!p1 $0x20, s12;
	s13 =	sadd.s32 @!p1 s3, s13  }
0x16: {  	[tilespmem:s12], [sflag:$0x2] =	stream.linear.gather @!p1 [hbm4b:s13+s14], $0x20, $0x38;
	[tilespmem:$0x10040] =	vst v63  }
0x17: {  	p1 =	seq.s32 s9, $0x0  }
0x18: {  	p2 =	seq.s32 @!p1 s9, $0x3  }
0x19: {  	p1 =	por p1, p2  }
.Ltmp2:
0x1a: {  	_ = 	snop;
	(pc) =	sbr.rel @p1 .LBB2_9-.Ltmp2, $1  }
0x1b: {  	_ =	sdelay $0x3  }
0x1c: {  	s12 =	simm.s32 $0x1  }
0x1d: {  	_ =	swait.ge [sflag:s5], $0x20;
	s13 =	sand.u32 $0x1, s9;
	s12 =	simm.s32 @!p0 $0x0  }
0x1e: {  	s15 =	simm.s32 $0x0;
	p2 =	por $0x1, $0x1;
	s12 =	sshll.u32 s12, $0x11  }
0x1f: {  	[sflag:s5] =	ssyncset.done $0x0;
	s13 =	sshll.u32 s13, $0x5;
	s14 =	sshrl.u32 s12, $0x2  }
0x20: {  	[sflag:s5] =	ssyncadd.s32 $0xFFFFFFE0;
	s12 =	sor.u32 $0x40, s14;
	s14 =	sadd.s32 $0x40, s14  }
.LBB2_3:
0x21: {  	s16 =	sshll.u32 s15, $0x4  }
0x22: {  	s16 =	sand.u32 $0x3FFFFFF0, s16  }
0x23: {  	s16 =	sadd.s32 s16, s13  }
0x24: {  	v0 =	vld.msk [tilespmem:s16+$0x0 ss:$0x1], $0xffff;
	_ =	sdelay $0x4  }
0x25: {  	vm2 =	vgt.s32 v0, $0x0  }
0x26: {  	v0 =	vnsel vm2, $0x0, v0  }
0x27: {  	v0 =	vmin.u32 v0, $0x7CFF  }
0x28: {  	v1 =	vshll.u32 v0, $0x7;
	v0 =	vshll.u32 v0, $0x4  }
0x29: {  	v1 =	vand.u32 $0x3FFC00, v1;
	v0 =	vand.u32 $0x70, v0  }
0x2a: {  	v0 =	vor.u32 v0, v1  }
0x2b: {  	s31 =	sshll.u32 s15, $0x10  }
0x2c: {  	s15 =	sshra.s32 s31, $0x2  }
0x2d: {  	s15 =	sadd.s32 s15, s14  }
0x2e: {  	s17 =	sadd.s32 $0x0, s15  }
0x2f: {  	[tilespmem:s17], [sflag:$0x1] =	stream.indirect_vreg.gather [hbm:s2], $0x80, v0, vm0, $0x38;
	[tilespmem:$0x10040] =	vst v63  }
0x30: {  	p1 =	por p2, p2;
	s16 =	simm.s32 $0x1000;
	v1 =	vadd.s32 $0x80, v0;
	s17 =	sadd.s32 $0x2000, s17  }
.LBB2_4:
0x31: {  	[tilespmem:s17], [sflag:$0x1] =	stream.indirect_vreg.gather [hbm:s2], $0x80, v0, vm1, $0x38;
	[tilespmem:$0x10040] =	vst v63  }
0x32: {  	v0 =	vmov v1;
	s17 =	smov.u32 s16;
	p2 =	sne.s32 s16, $0x7000  }
.Ltmp3:
0x33: {  	s16 =	sadd.s32 $0x1000, s16;
	(pc) =	sbr.rel @p2 .LBB2_4-.Ltmp3, $4  }
0x34: {  	s17 =	sshra.s32 s17, $0x2  }
0x35: {  	s17 =	sadd.s32 s17, s15  }
0x36: {  	[tilespmem:s17], [sflag:$0x1] =	stream.indirect_vreg.gather [hbm:s2], $0x80, v1, vm0, $0x38;
	[tilespmem:$0x10040] =	vst v63  }
0x37: {  	s17 =	sadd.s32 $0x2000, s17;
	v1 =	vadd.s32 $0x80, v1  }
0x38: {  	_ = 	snop  }
.Ltmp4:
0x39: {  	_ = 	snop;
	(pc) =	sbr.rel @p1 .LBB2_3-.Ltmp4, $3  }
0x3a: {  	_ =	sdelay $0x1  }
0x3b: {  	[tilespmem:s17], [sflag:$0x1] =	stream.indirect_vreg.gather [hbm:s2], $0x80, v0, vm1, $0x38;
	[tilespmem:$0x10040] =	vst v63  }
0x3c: {  	s15 =	simm.s32 $0x1;
	p2 =	por $0x0, $0x0  }
0x3d: {  	s13 =	sshll.u32 s11, $0x7  }
0x3e: {  	s31 =	sshll.u32 s11, $0x4;
	s13 =	sand.u32 $0xFFFFFC00, s13  }
0x3f: {  	_ =	swait.ge [sflag:s4], $0x8000;
	s11 =	sand.u32 $0x70, s31;
	s13 =	sadd.s32 s13, s7  }
0x40: {  	s14 =	sadd.s32 $0x2000, s12;
	[sflag:s4] =	ssyncset.done $0x0;
	s11 =	sadd.s32 s11, s13  }
0x41: {  	[sflag:s4] =	ssyncadd.s32 $0xFFFF8000;
	s13 =	simm.s32 $0x400;
	s15 =	sadd.s32 $0x0, s11  }
.LBB2_7:
0x42: {  	[hbm:s15] =	stream.linear.scatter [tilespmem:s12], [sflag:$0x3], $0x2000, $0x38;
	[tilespmem:$0x10040] =	vst v63  }
0x43: {  	s15 =	smov.u32 s13;
	s12 =	smov.u32 s14;
	p1 =	sne.s32 s13, $0xC00  }
.Ltmp5:
0x44: {  	s13 =	sadd.s32 $0x400, s13;
	(pc) =	sbr.rel @p1 .LBB2_7-.Ltmp5, $2  }
0x45: {  	_ =	sdelay $0x2  }
0x46: {  	s14 =	sadd.s32 $0x2000, s14;
	s15 =	sadd.s32 s15, s11  }
.Ltmp6:
0x47: {  	(pc) =	sbr.rel .LBB2_9-.Ltmp6, $2  }
0x48: {  	_ =	sdelay $0x2  }
0x49: {  	[hbm:s15] =	stream.linear.scatter [tilespmem:s12], [sflag:$0x3], $0x2000, $0x38;
	[tilespmem:$0x10040] =	vst v63  }
.LBB2_10:
0x4a: {  	_ =	sfence.sel $0x180000  }
0x4b: {  	s2 =	simm.s32 $0x2;
	[bflag:$0x0] =	sbarrier.arrive $0xFFFF  }
0x4c: {  	s30 =	simm.s32 $0x3;
	[sflag:s2] =	ssyncpa.u1 $0x1  }
0x4d: {  	s31 =	simm.s32 $0x1;
	[sflag:s30] =	ssyncpa.u1 $0x1  }
0x4e: {  	[sflag:s31] =	ssyncpa.u1 $0x1  }
0x4f: {  	p0 =	sne.s32 s1, $0x0;
	_ =	strace $0x90000047  }
0x50: {  	s0 =	sadd.s32 @!p0 $0x100000, s0;
	[bflag:$0x2] =	sbarrier.arrive $0xFFFF  }
0x51: {  	[sflag:s0] =	ssyncadd.tile.s32 @!p0 $0x1;
	_ =	shalt  }
.Lfunc_end2:
_tile_overlayer_lowered:
.L_overlay_start_2:
0x52: {  	(tag) =	ssettag $0x2  }
0x53: {  	s0 =	rddreg [dreg:$0x0];
	s2 =	stileid.u32  }
0x54: {  	s1 =	rddreg [dreg:$0x1];
	p0 =	sne.s32 s2, $0x0  }
0x55: {  	s3 =	rddreg [dreg:$0x2];
	[bflag:$0x3] =	sbarrier.arrive $0xFFFF;
	s2 =	simm.s32 @!p0 $0x1C01  }
0x56: {  	[timem:s3], [sflag:s2] =	dma.local @!p0 [hbm:s0], s1  }
0x57: {  	s0 =	simm.s32 @!p0 $0x1  }
0x58: {  	_ =	swait.ge @!p0 [sflag:s0], s1  }
0x59: {  	s1 =	ssub.s32 @!p0 $0x0, s1;
	[sflag:s0] =	ssyncset.done @!p0 $0x0  }
0x5a: {  	[sflag:s0] =	ssyncadd.s32 @!p0 s1  }
0x5b: {  	[bflag:$0x3] =	sbarrier.arrive $0xFFFF  }
0x5c: {  	_ =	shalt  }

// kernel: kernel.18.cloned.1.call-start
scs
__scs_entry_jumppad:
0x0: {  	(pc) =	sbr.rel $0x88, $3  }
0x1: {  	(tag) =	ssettag $0x0;
	lr =	simm.s32 $0x1  }
0x2: {  	[smem:$0x3F80] =	sst lr;
	_ =	strace $0xD0000000  }
0x3: {  	_ = 	snop  }
0x4: {  	_ = 	snop  }
0x5: {  	_ = 	snop  }
0x6: {  	_ = 	snop  }
0x7: {  	_ = 	snop  }
__scs_overlays_trampoline_lowered:
0x8: {  	[smem:$0x3F8F] =	sst s0  }
0x9: {  	[smem:$0x3F90] =	sst s1  }
0xa: {  	[smem:$0x3F91] =	sst s2  }
0xb: {  	[smem:$0x3F92] =	sst s3  }
0xc: {  	[smem:$0x3F93] =	sst s4  }
0xd: {  	[smem:$0x3F94] =	sst s5  }
0xe: {  	[smem:$0x3F95] =	sst s6  }
0xf: {  	[smem:$0x3F96] =	sst s7  }
0x10: {  	[smem:$0x3F97] =	sst s8  }
0x11: {  	[smem:$0x3F98] =	sst s9;
	s0 =	simm.s32 @!p0 $0x0  }
0x12: {  	s1 =	sld [smem:$0x3F7E];
	s0 =	simm.s32 @p0 $0x1  }
0x13: {  	[smem:$0x3F99] =	sst s0;
	s0 =	simm.s32 @!p1 $0x0  }
0x14: {  	s2 =	sld [smem:$0x3F7D];
	s0 =	simm.s32 @p1 $0x1  }
0x15: {  	[smem:$0x3F9A] =	sst s0;
	s0 =	simm.s32 @!p2 $0x0  }
0x16: {  	s3 =	sld [smem:$0x3FDB];
	s0 =	simm.s32 @p2 $0x1  }
0x17: {  	s4 =	simm.s32 $0x1BF5;
	[smem:$0x3F9C] =	sst s0  }
0x18: {  	s0 =	sld [smem:$0x3F7F];
	_ =	swait.ge [sflag:s4], $0x0  }
0x19: {  	s7 =	sld [smem:$0x3F80]  }
0x1a: {  	s8 =	sadd.s32 $0xFFFFE003, lr  }
0x1b: {  	s9 =	sadd.s32 $0xFFFFFEF7, lr;
	s5 =	simm.s32 $0xFFFFFFFF;
	p2 =	slt.u32 s8, $0xFFFFF086  }
0x1c: {  	p1 =	slt.u32 s9, $0xF7A;
	s5 =	simm.s32 @!p2 $0x0  }
0x1d: {  	s5 =	simm.s32 @p1 $0x1;
	p0 =	seq.s32 s7, s2  }
0x1e: {  	s7 =	smul.u32 @!p0 $0xF7A, s2;
	p2 =	seq.s32 @!p0 s5, $0x0  }
0x1f: {  	s9 =	smul.u32 $0xF7A, s1;
	s8 =	simm.s32 @!p0 $0x1BF5;
	p2 =	por !p2, p0  }
0x20: {  	[sflag:s8] =	ssyncset.s32 @!p0 $0xFFFFF086;
	s6 =	sadd.s32 @!p0 s3, s7;
	s7 =	simm.s32 @!p0 $0x108  }
0x21: {  	s3 =	sadd.s32 s3, s9;
	s6 =	sadd.s32 @!p0 $0x88, s6;
	s7 =	simm.s32 @p2 $0x1082  }
0x22: {  	[simem:s7], [sflag:s8] =	dma.local @!p0 [hbm:s6], $0xF7A  }
0x23: {  	s9 =	sor.u32 $0xD0000000, s2;
	s6 =	simm.s32 $0x108;
	_ =	swait.ge @!p0 [sflag:s8], $0x0  }
0x24: {  	s3 =	sadd.s32 $0x88, s3;
	s6 =	simm.s32 @!p1 $0x1082;
	[sflag:s4] =	ssyncset.s32 $0xFFFFF086  }
0x25: {  	[simem:s6], [sflag:s4] =	dma.local [hbm:s3], $0xF7A  }
0x26: {  	[smem:$0x3F80] =	sst s1;
	(tag) =	ssettag s2;
	_ =	strace s9  }
0x27: {  	s1 =	sld [smem:$0x3F90]  }
0x28: {  	s2 =	sld [smem:$0x3F91]  }
0x29: {  	s4 =	sld [smem:$0x3F93]  }
0x2a: {  	p0 =	seq.s32 s5, $0x0;
	s5 =	sld [smem:$0x3F94]  }
0x2b: {  	s6 =	sld [smem:$0x3F95]  }
0x2c: {  	s7 =	sld [smem:$0x3F96]  }
0x2d: {  	s3 =	simm.s32 $0x108;
	s8 =	sld [smem:$0x3F97]  }
0x2e: {  	s3 =	simm.s32 @!p0 $0x1082;
	s9 =	sld [smem:$0x3F98]  }
0x2f: {  	lr =	sadd.s32 s0, s3;
	s0 =	sld [smem:$0x3F8F]  }
0x30: {  	s3 =	sld [smem:$0x3F92]  }
0x31: {  	[smem:$0x3F9B] =	sst s10  }
0x32: {  	s10 =	sld [smem:$0x3F99];
	_ =	sdelay $0x3  }
0x33: {  	p0 =	seq.s32 s10, $0x1;
	s10 =	sld [smem:$0x3F9B];
	_ =	sdelay $0x3  }
0x34: {  	[smem:$0x3F9B] =	sst s10  }
0x35: {  	s10 =	sld [smem:$0x3F9A];
	_ =	sdelay $0x3  }
0x36: {  	p1 =	seq.s32 s10, $0x1;
	s10 =	sld [smem:$0x3F9B];
	_ =	sdelay $0x3  }
0x37: {  	[smem:$0x3F9B] =	sst s10  }
0x38: {  	s10 =	sld [smem:$0x3F9C]  }
0x39: {  	_ = 	snop;
	(pc) =	sbr.ind lr, $3  }
0x3a: {  	_ = 	snop  }
0x3b: {  	_ = 	snop  }
0x3c: {  	p2 =	seq.s32 s10, $0x1;
	s10 =	sld [smem:$0x3F9B]  }
0x3d: {  	_ =	shalt  }
0x3e: {  	_ =	shalt  }
0x3f: {  	_ =	shalt  }
0x40: {  	_ =	shalt  }
0x41: {  	_ =	shalt  }
0x42: {  	_ =	shalt  }
0x43: {  	_ =	shalt  }
0x44: {  	_ =	shalt  }
0x45: {  	_ =	shalt  }
0x46: {  	_ =	shalt  }
0x47: {  	_ =	shalt  }
0x48: {  	_ =	shalt  }
0x49: {  	_ =	shalt  }
0x4a: {  	_ =	shalt  }
0x4b: {  	_ =	shalt  }
0x4c: {  	_ =	shalt  }
0x4d: {  	_ =	shalt  }
0x4e: {  	_ =	shalt  }
0x4f: {  	_ =	shalt  }
0x50: {  	_ =	shalt  }
0x51: {  	_ =	shalt  }
0x52: {  	_ =	shalt  }
0x53: {  	_ =	shalt  }
0x54: {  	_ =	shalt  }
0x55: {  	_ =	shalt  }
0x56: {  	_ =	shalt  }
0x57: {  	_ =	shalt  }
0x58: {  	_ =	shalt  }
0x59: {  	_ =	shalt  }
0x5a: {  	_ =	shalt  }
0x5b: {  	_ =	shalt  }
0x5c: {  	_ =	shalt  }
0x5d: {  	_ =	shalt  }
0x5e: {  	_ =	shalt  }
0x5f: {  	_ =	shalt  }
0x60: {  	_ =	shalt  }
0x61: {  	_ =	shalt  }
0x62: {  	_ =	shalt  }
0x63: {  	_ =	shalt  }
0x64: {  	_ =	shalt  }
0x65: {  	_ =	shalt  }
0x66: {  	_ =	shalt  }
0x67: {  	_ =	shalt  }
0x68: {  	_ =	shalt  }
0x69: {  	_ =	shalt  }
0x6a: {  	_ =	shalt  }
0x6b: {  	_ =	shalt  }
0x6c: {  	_ =	shalt  }
0x6d: {  	_ =	shalt  }
0x6e: {  	_ =	shalt  }
0x6f: {  	_ =	shalt  }
0x70: {  	_ =	shalt  }
0x71: {  	_ =	shalt  }
0x72: {  	_ =	shalt  }
0x73: {  	_ =	shalt  }
0x74: {  	_ =	shalt  }
0x75: {  	_ =	shalt  }
0x76: {  	_ =	shalt  }
0x77: {  	_ =	shalt  }
0x78: {  	_ =	shalt  }
0x79: {  	_ =	shalt  }
0x7a: {  	_ =	shalt  }
0x7b: {  	_ =	shalt  }
0x7c: {  	_ =	shalt  }
0x7d: {  	_ =	shalt  }
0x7e: {  	_ =	shalt  }
0x7f: {  	_ =	shalt  }
0x80: {  	_ =	shalt  }
0x81: {  	_ =	shalt  }
0x82: {  	_ =	shalt  }
0x83: {  	_ =	shalt  }
0x84: {  	_ =	shalt  }
0x85: {  	_ =	shalt  }
0x86: {  	_ =	shalt  }
0x87: {  	_ =	shalt  }
.Lfunc_end0:
.L_simem_size_0:
called_computation.1_lowered:
.L_overlay_start_0:
0x88: {  	s2 =	sld [smem:$0x3FD9]  }
0x89: {  	s3 =	sld [smem:$0x3FFE];
	_ =	sdelay $0x1  }
0x8a: {  	s1 =	srdreg.scid  }
0x8b: {  	s0 =	sand.u32 $0x1, s1  }
0x8c: {  	s17 =	sshll.u32 s0, $0xA;
	s2 =	sadd.s32 s3, s2  }
0x8d: {  	s2 =	sadd.s32 s2, s17  }
0x8e: {  	[smem:$0x3FA7] =	sst s2  }
0x8f: {  	_ = 	snop  }
0x90: {  	s18 =	sld [smem:$0x3FC9]  }
0x91: {  	s4 =	sld [smem:$0x3FA9];
	(tm) =	ssettm $0x1  }
0x92: {  	s19 =	sld [smem:$0x3FFB];
	_ =	sdelay $0x3  }
0x93: {  	_ =	strace s19  }
0x94: {  	s2 =	sld [smem:$0x3FFC];
	_ =	sdelay $0x3  }
0x95: {  	_ =	strace s2  }
0x96: {  	s2 =	sld [smem:$0x3FFD];
	_ =	sdelay $0x3  }
0x97: {  	_ =	strace s2  }
0x98: {  	_ =	strace $0x8FFFFFFF  }
0x99: {  	s20 =	sld [smem:$0x3FDB];
	_ =	sdelay $0x1  }
0x9a: {  	s5 =	simm.s32 $_scs_section_size  }
0x9b: {  	s6 =	simm.s32 $_size__tile_overlayer_lowered;
	s7 =	simm.s32 $_tile_overlayer_lowered  }
0x9c: {  	s8 =	simm.s32 $0x1BFF;
	s21 =	sshll.u32 s7, $0x1;
	s5 =	sadd.s32 s5, s20  }
0x9d: {  	s22 =	simm.s32 $0x0;
	s6 =	sshll.u32 s6, $0x1;
	s7 =	sadd.s32 s21, s5  }
0x9e: {  	[timem:s22], [sflag:s8] =	dma.local [hbm:s7], s6  }
0x9f: {  	_ =	swait.ge [sflag:s8], s6  }
0xa0: {  	s6 =	ssub.s32 $0x0, s6;
	[sflag:s8] =	ssyncset.done $0x0  }
0xa1: {  	[sflag:s8] =	ssyncadd.s32 s6;
	_ =	sdelay $0x1  }
0xa2: {  	s23 =	simm.s32 $0x1B8B  }
0xa3: {  	_ =	swait.ge [sflag:s23], $0x1  }
0xa4: {  	[sflag:s23] =	ssyncset.done $0x0  }
0xa5: {  	[sflag:s23] =	ssyncadd.s32 $0xFFFFFFFF  }
0xa6: {  	s6 =	sld [smem:$0x0]  }
0xa7: {  	s7 =	sand.u32 $0xFFFFFFFE, s1  }
0xa8: {  	p0 =	sne.s32 s1, s7  }
0xa9: {  	s7 =	sshll.u32 @p0 s7, $0xE  }
0xaa: {  	s7 =	sadd.s32 @p0 $0x11B8D, s7;
	s8 =	sshll.u32 @p0 s6, $0x11  }
0xab: {  	s7 =	sor.u32 @p0 s8, s7  }
0xac: {  	[sflag:s7] =	ssyncadd.remote.s32 @p0 $0x1;
	_ =	sdelay $0x1  }
0xad: {  	s7 =	simm.s32 @p0 $0x1B8D  }
0xae: {  	_ =	swait.eq @p0 [sflag:s7], $0x1  }
0xaf: {  	[sflag:s7] =	ssyncadd.s32 @p0 $0xFFFFFFFF  }
0xb0: {  	s8 =	sshll.u32 @!p0 s1, $0xE  }
0xb1: {  	s8 =	sor.u32 @!p0 $0x4000, s8;
	s7 =	simm.s32 @!p0 $0x1B8D  }
0xb2: {  	s6 =	sshll.u32 @!p0 s6, $0x11;
	s8 =	sadd.s32 @!p0 $0x11B8D, s8;
	_ =	swait.eq @!p0 [sflag:s7], $0x1  }
0xb3: {  	s6 =	sor.u32 @!p0 s6, s8;
	[sflag:s7] =	ssyncadd.s32 @!p0 $0xFFFFFFFF  }
0xb4: {  	s25 =	simm.s32 $0x1B8E;
	s24 =	sld [smem:$0x3FFE];
	[sflag:s6] =	ssyncadd.remote.s32 @!p0 $0x1  }
0xb5: {  	s26 =	simm.s32 $execute0_lowered;
	[smem:$0x3FD2] =	sst s25  }
0xb6: {  	s7 =	sshll.u32 s26, $0x1;
	_ =	strace $0x80000049;
	[dreg:$0x1] =	wrdreg $0xFFFFFFFF  }
0xb7: {  	s28 =	simm.s32 $_size_execute0_lowered;
	s5 =	sadd.s32 s5, s7;
	[dreg:$0x0] =	wrdreg $0x0  }
0xb8: {  	s7 =	sshll.u32 s28, $0x1;
	[dreg:$0x2] =	wrdreg s5  }
0xb9: {  	[dreg:$0x3] =	wrdreg s7  }
0xba: {  	[dreg:$0x4] =	wrdreg $0xC0  }
0xbb: {  	_ =	task [dreg:s22], $0x5FFFF  }
0xbc: {  	[dreg:$0x1] =	wrdreg $0xFFFFFFFF  }
0xbd: {  	[dreg:$0x0] =	wrdreg $0x60  }
0xbe: {  	[dreg:$0x2] =	wrdreg s18  }
0xbf: {  	[dreg:$0x3] =	wrdreg s4  }
0xc0: {  	[dreg:$0x4] =	wrdreg s24  }
0xc1: {  	[dreg:$0x5] =	wrdreg $0xA  }
0xc2: {  	_ =	task.clear_ibuf [dreg:s22], $0x6FFFF;
	_ =	strace $0x90000049  }
0xc3: {  	s29 =	simm.s32 $0xA;
	_ =	strace $0x8000004B  }
0xc4: {  	_ =	swait.ge [sflag:s29], $0x1  }
0xc5: {  	[sflag:s29] =	ssyncadd.s32 $0xFFFFFFFF  }
0xc6: {  	_ =	strace $0x9000004B  }
0xc7: {  	_ =	sfence  }
0xc8: {  	s30 =	sld [smem:$0x0];
	_ =	sdelay $0x2  }
0xc9: {  	s31 =	sshll.u32 s1, $0xD;
	s1 =	sshrl.u32 s1, $0x2  }
0xca: {  	s4 =	sand.u32 $0x4000, s31;
	s1 =	sadd.s32 s1, s30  }
0xcb: {  	s0 =	sor.u32 s4, s0;
	s1 =	sshll.u32 s1, $0x11  }
0xcc: {  	s0 =	sor.u32 s1, s0  }
0xcd: {  	s0 =	sadd.s32 $0x8F2B, s0  }
0xce: {  	[sflag:s0] =	ssyncadd.remote.s32 $0x1  }
0xcf: {  	_ =	sfence.sel $0xFFFF  }
0xd0: {  	[dreg:$0x0] =	wrdreg $0xFFFFFFFF;
	(pc) =	sbr.abs _section_cstart, $3  }
0xd1: {  	[dreg:$0x1] =	wrdreg $0xFFFFFFFF  }
0xd2: {  	_ =	task.clear_ibuf [dreg:s22], $0x2FFFF;
	_ =	strace $0x9FFFFFFF  }
0xd3: {  	(tm) =	ssettm $0x7FFFFFFF  }
tec
execute0_lowered:
.L_overlay_start_1:
0x0: {  	(tag) =	ssettag $0x1  }
0x1: {  	s1 =	rddreg [dreg:$0x0]  }
0x2: {  	s2 =	srdreg.scid;
	s4 =	rddreg [dreg:$0x1]  }
0x3: {  	s0 =	stileid.u32;
	s5 =	rddreg [dreg:$0x2];
	s3 =	simm.s32 $0x0  }
0x4: {  	s17 =	simm.s32 $0x880;
	s18 =	simm.s32 $0x1080;
	s19 =	simm.s32 $0x1880  }
0x5: {  	s21 =	simm.s32 $0x2080;
	s22 =	simm.s32 $0x2880;
	s23 =	simm.s32 $0x3080  }
0x6: {  	s24 =	simm.s32 $0x3880;
	s8 =	simm.s32 $0x4080;
	[smem:$0x7FF] =	sst s3  }
0x7: {  	s25 =	simm.s32 $0x4880;
	_ =	strace $0x8000004A;
	[dreg:$0x6] =	wrdreg s17  }
0x8: {  	s26 =	simm.s32 $0x5080;
	s9 =	simm.s32 $0x80;
	[dreg:$0x7] =	wrdreg s18  }
0x9: {  	s11 =	simm.s32 $0x6080;
	s12 =	simm.s32 $0x6880;
	[dreg:$0x8] =	wrdreg s19  }
0xa: {  	s13 =	simm.s32 $0x7080;
	s14 =	simm.s32 $0x7880;
	[dreg:$0x9] =	wrdreg s21  }
0xb: {  	s15 =	simm.s32 $0x8080;
	s28 =	simm.s32 $0xE080;
	[dreg:$0xa] =	wrdreg s22  }
0xc: {  	s29 =	simm.s32 $0xE880;
	s30 =	simm.s32 $0xF080;
	[dreg:$0xb] =	wrdreg s23  }
0xd: {  	s31 =	simm.s32 $0xF880;
	s2 =	sand.u32 $0x1, s2;
	[dreg:$0xc] =	wrdreg s24  }
0xe: {  	s6 =	sshll.u32 s0, $0x7;
	s7 =	sshll.u32 s2, $0x6;
	[dreg:$0xd] =	wrdreg s8  }
0xf: {  	s2 =	ssub.s32 $0x2, s2;
	s8 =	simm.s32 $0x2;
	[dreg:$0xe] =	wrdreg s25  }
0x10: {  	[dreg:$0xf] =	wrdreg s26;
	s17 =	simm.s32 $0x9080;
	s18 =	simm.s32 $0x9880  }
0x11: {  	s19 =	simm.s32 $0xA080;
	s21 =	simm.s32 $0xB080;
	s22 =	simm.s32 $0xB880  }
0x12: {  	s23 =	simm.s32 $0xC080;
	s24 =	simm.s32 $0xC880;
	s25 =	simm.s32 $0xD080  }
0x13: {  	s26 =	simm.s32 $0xD880;
	s6 =	sor.u32 s7, s6;
	s20 =	sshrl.u32 s2, $0x1  }
0x14: {  	s7 =	sshll.u32 s6, $0x7;
	s6 =	sshrl.u32 s6, $0x3;
	s2 =	ssub.s32 s2, s20  }
0x15: {  	s20 =	simm.s32 $0xA880;
	s5 =	sadd.s32 s7, s5;
	s4 =	sadd.s32 s4, s6  }
0x16: {  	v2 =	vlaneseq.u32;
	s6 =	sadd.s32 $0x300, s1;
	s7 =	smax.u32 s2, $0x1;
	s2 =	simm.s32 $0x1  }
0x17: {  	vm0 =	vmmov $0xffff;
	v1 =	vshrl.u32 v2, $0x3;
	[dreg:$0x4] =	wrdreg s4;
	s16 =	sadd.s32 $0x41400, s5;
	s4 =	sadd.s32 $0x100, s1  }
0x18: {  	v0 =	vand.u32 $0x7, v2;
	v2 =	vor.u32 $0x8, v2;
	v1 =	vmul.u32 $0x8, v1;
	s5 =	sadd.s32 $0x200, s1;
	[dreg:$0x5] =	wrdreg s16;
	s16 =	simm.s32 $0x8880  }
.LBB2_1:
0x19: {  	s0 =	rddreg [dreg:$0x4]  }
0x1a: {  	[tilespmem:s3], [sflag:$0x2] =	stream.linear.gather [hbm4b:s0+s3], $0x40, $0x38;
	[tilespmem:$0x10080] =	vst v63  }
0x1b: {  	_ =	swait.ge [sflag:s8], $0x40  }
0x1c: {  	[sflag:s8] =	ssyncset.done $0x0  }
0x1d: {  	[sflag:s8] =	ssyncadd.s32 $0xFFFFFFC0  }
0x1e: {  	v3 =	vld [tilespmem:$0x0];
	_ =	sdelay $0x4  }
0x1f: {  	v4 =	vshll.u32 v3, $0x3  }
0x20: {  	v3 =	vand.u32 $0x7, v3;
	v4 =	vand.u32 $0xFFFFFFC0, v4  }
0x21: {  	v3 =	vor.u32 v3, v4  }
0x22: {  	v4 =	vperm.xlane v3, v0;
	_ =	sdelay $0x1  }
0x23: {  	v4 =	vadd.s32 v1, v4;
	_ =	sdelay $0x4  }
0x24: {  	[tilespmem:s9], [sflag:$0x1] =	stream.indirect_vreg.gather [hbm4b:s1+s3], $0x80, v4, vm0, $0xb8;
	[tilespmem:$0x10080] =	vst v63  }
0x25: {  	s0 =	rddreg [dreg:$0x6];
	v3 =	vperm.xlane v3, v2  }
0x26: {  	[tilespmem:s0], [sflag:$0x1] =	stream.indirect_vreg.gather [hbm4b:s4+s3], $0x80, v4, vm0, $0xb8;
	[tilespmem:$0x10080] =	vst v63  }
0x27: {  	s10 =	rddreg [dreg:$0x7];
	v3 =	vadd.s32 v1, v3  }
0x28: {  	[tilespmem:s10], [sflag:$0x1] =	stream.indirect_vreg.gather [hbm4b:s5+s3], $0x80, v4, vm0, $0xb8;
	[tilespmem:$0x10080] =	vst v63  }
0x29: {  	s0 =	rddreg [dreg:$0x8]  }
0x2a: {  	[tilespmem:s0], [sflag:$0x1] =	stream.indirect_vreg.gather [hbm4b:s6+s3], $0x80, v4, vm0, $0xb8;
	[tilespmem:$0x10080] =	vst v63  }
0x2b: {  	s10 =	rddreg [dreg:$0x9]  }
0x2c: {  	[tilespmem:s10], [sflag:$0x1] =	stream.indirect_vreg.gather [hbm4b:s1+s3], $0x80, v3, vm0, $0xb8;
	[tilespmem:$0x10080] =	vst v63  }
0x2d: {  	s0 =	rddreg [dreg:$0xa]  }
0x2e: {  	[tilespmem:s0], [sflag:$0x1] =	stream.indirect_vreg.gather [hbm4b:s4+s3], $0x80, v3, vm0, $0xb8;
	[tilespmem:$0x10080] =	vst v63  }
0x2f: {  	s10 =	rddreg [dreg:$0xb]  }
0x30: {  	[tilespmem:s10], [sflag:$0x1] =	stream.indirect_vreg.gather [hbm4b:s5+s3], $0x80, v3, vm0, $0xb8;
	[tilespmem:$0x10080] =	vst v63  }
0x31: {  	s0 =	rddreg [dreg:$0xc]  }
0x32: {  	[tilespmem:s0], [sflag:$0x1] =	stream.indirect_vreg.gather [hbm4b:s6+s3], $0x80, v3, vm0, $0xb8;
	[tilespmem:$0x10080] =	vst v63  }
0x33: {  	v3 =	vld [tilespmem:$0x10];
	_ =	sdelay $0x4  }
0x34: {  	v61 =	vshll.u32 v3, $0x3  }
0x35: {  	v3 =	vand.u32 $0x7, v3;
	v4 =	vand.u32 $0xFFFFFFC0, v61  }
0x36: {  	v3 =	vor.u32 v3, v4  }
0x37: {  	v4 =	vperm.xlane v3, v0;
	_ =	sdelay $0x1  }
0x38: {  	v4 =	vadd.s32 v1, v4;
	_ =	sdelay $0x3  }
0x39: {  	s0 =	rddreg [dreg:$0xd]  }
0x3a: {  	[tilespmem:s0], [sflag:$0x1] =	stream.indirect_vreg.gather [hbm4b:s1+s3], $0x80, v4, vm0, $0xb8;
	[tilespmem:$0x10080] =	vst v63  }
0x3b: {  	s10 =	rddreg [dreg:$0xe];
	v3 =	vperm.xlane v3, v2  }
0x3c: {  	[tilespmem:s10], [sflag:$0x1] =	stream.indirect_vreg.gather [hbm4b:s4+s3], $0x80, v4, vm0, $0xb8;
	[tilespmem:$0x10080] =	vst v63  }
0x3d: {  	v3 =	vadd.s32 v1, v3;
	s0 =	rddreg [dreg:$0xf]  }
0x3e: {  	[tilespmem:s0], [sflag:$0x1] =	stream.indirect_vreg.gather [hbm4b:s5+s3], $0x80, v4, vm0, $0xb8;
	[tilespmem:$0x10080] =	vst v63  }
0x3f: {  	s10 =	simm.s32 $0x5880  }
0x40: {  	[tilespmem:s10], [sflag:$0x1] =	stream.indirect_vreg.gather [hbm4b:s6+s3], $0x80, v4, vm0, $0xb8;
	[tilespmem:$0x10080] =	vst v63  }
0x41: {  	_ = 	snop  }
0x42: {  	[tilespmem:s11], [sflag:$0x1] =	stream.indirect_vreg.gather [hbm4b:s1+s3], $0x80, v3, vm0, $0xb8;
	[tilespmem:$0x10080] =	vst v63  }
0x43: {  	_ = 	snop  }
0x44: {  	[tilespmem:s12], [sflag:$0x1] =	stream.indirect_vreg.gather [hbm4b:s4+s3], $0x80, v3, vm0, $0xb8;
	[tilespmem:$0x10080] =	vst v63  }
0x45: {  	_ = 	snop  }
0x46: {  	[tilespmem:s13], [sflag:$0x1] =	stream.indirect_vreg.gather [hbm4b:s5+s3], $0x80, v3, vm0, $0xb8;
	[tilespmem:$0x10080] =	vst v63  }
0x47: {  	_ = 	snop  }
0x48: {  	[tilespmem:s14], [sflag:$0x1] =	stream.indirect_vreg.gather [hbm4b:s6+s3], $0x80, v3, vm0, $0xb8;
	[tilespmem:$0x10080] =	vst v63  }
0x49: {  	v3 =	vld [tilespmem:$0x20];
	_ =	sdelay $0x4  }
0x4a: {  	v62 =	vshll.u32 v3, $0x3  }
0x4b: {  	v3 =	vand.u32 $0x7, v3;
	v4 =	vand.u32 $0xFFFFFFC0, v62  }
0x4c: {  	v3 =	vor.u32 v3, v4  }
0x4d: {  	v4 =	vperm.xlane v3, v0;
	_ =	sdelay $0x1  }
0x4e: {  	v4 =	vadd.s32 v1, v4;
	_ =	sdelay $0x4  }
0x4f: {  	[tilespmem:s15], [sflag:$0x1] =	stream.indirect_vreg.gather [hbm4b:s1+s3], $0x80, v4, vm0, $0xb8;
	[tilespmem:$0x10080] =	vst v63  }
0x50: {  	v3 =	vperm.xlane v3, v2  }
0x51: {  	[tilespmem:s16], [sflag:$0x1] =	stream.indirect_vreg.gather [hbm4b:s4+s3], $0x80, v4, vm0, $0xb8;
	[tilespmem:$0x10080] =	vst v63  }
0x52: {  	v3 =	vadd.s32 v1, v3  }
0x53: {  	[tilespmem:s17], [sflag:$0x1] =	stream.indirect_vreg.gather [hbm4b:s5+s3], $0x80, v4, vm0, $0xb8;
	[tilespmem:$0x10080] =	vst v63  }
0x54: {  	_ = 	snop  }
0x55: {  	[tilespmem:s18], [sflag:$0x1] =	stream.indirect_vreg.gather [hbm4b:s6+s3], $0x80, v4, vm0, $0xb8;
	[tilespmem:$0x10080] =	vst v63  }
0x56: {  	_ = 	snop  }
0x57: {  	[tilespmem:s19], [sflag:$0x1] =	stream.indirect_vreg.gather [hbm4b:s1+s3], $0x80, v3, vm0, $0xb8;
	[tilespmem:$0x10080] =	vst v63  }
0x58: {  	_ = 	snop  }
0x59: {  	[tilespmem:s20], [sflag:$0x1] =	stream.indirect_vreg.gather [hbm4b:s4+s3], $0x80, v3, vm0, $0xb8;
	[tilespmem:$0x10080] =	vst v63  }
0x5a: {  	_ = 	snop  }
0x5b: {  	[tilespmem:s21], [sflag:$0x1] =	stream.indirect_vreg.gather [hbm4b:s5+s3], $0x80, v3, vm0, $0xb8;
	[tilespmem:$0x10080] =	vst v63  }
0x5c: {  	_ = 	snop  }
0x5d: {  	[tilespmem:s22], [sflag:$0x1] =	stream.indirect_vreg.gather [hbm4b:s6+s3], $0x80, v3, vm0, $0xb8;
	[tilespmem:$0x10080] =	vst v63  }
0x5e: {  	v3 =	vld [tilespmem:$0x30];
	_ =	sdelay $0x4  }
0x5f: {  	v63 =	vshll.u32 v3, $0x3  }
0x60: {  	v3 =	vand.u32 $0x7, v3;
	v4 =	vand.u32 $0xFFFFFFC0, v63  }
0x61: {  	v3 =	vor.u32 v3, v4  }
0x62: {  	v4 =	vperm.xlane v3, v0;
	_ =	sdelay $0x1  }
0x63: {  	v4 =	vadd.s32 v1, v4;
	_ =	sdelay $0x4  }
0x64: {  	[tilespmem:s23], [sflag:$0x1] =	stream.indirect_vreg.gather [hbm4b:s1+s3], $0x80, v4, vm0, $0xb8;
	[tilespmem:$0x10080] =	vst v63  }
0x65: {  	v3 =	vperm.xlane v3, v2  }
0x66: {  	[tilespmem:s24], [sflag:$0x1] =	stream.indirect_vreg.gather [hbm4b:s4+s3], $0x80, v4, vm0, $0xb8;
	[tilespmem:$0x10080] =	vst v63  }
0x67: {  	v3 =	vadd.s32 v1, v3  }
0x68: {  	[tilespmem:s25], [sflag:$0x1] =	stream.indirect_vreg.gather [hbm4b:s5+s3], $0x80, v4, vm0, $0xb8;
	[tilespmem:$0x10080] =	vst v63  }
0x69: {  	_ = 	snop  }
0x6a: {  	[tilespmem:s26], [sflag:$0x1] =	stream.indirect_vreg.gather [hbm4b:s6+s3], $0x80, v4, vm0, $0xb8;
	[tilespmem:$0x10080] =	vst v63  }
0x6b: {  	_ = 	snop  }
0x6c: {  	[tilespmem:s28], [sflag:$0x1] =	stream.indirect_vreg.gather [hbm4b:s1+s3], $0x80, v3, vm0, $0xb8;
	[tilespmem:$0x10080] =	vst v63  }
0x6d: {  	_ = 	snop  }
0x6e: {  	[tilespmem:s29], [sflag:$0x1] =	stream.indirect_vreg.gather [hbm4b:s4+s3], $0x80, v3, vm0, $0xb8;
	[tilespmem:$0x10080] =	vst v63  }
0x6f: {  	_ = 	snop  }
0x70: {  	[tilespmem:s30], [sflag:$0x1] =	stream.indirect_vreg.gather [hbm4b:s5+s3], $0x80, v3, vm0, $0xb8;
	[tilespmem:$0x10080] =	vst v63  }
0x71: {  	_ = 	snop  }
0x72: {  	[tilespmem:s31], [sflag:$0x1] =	stream.indirect_vreg.gather [hbm4b:s6+s3], $0x80, v3, vm0, $0xb8;
	[tilespmem:$0x10080] =	vst v63  }
0x73: {  	_ =	swait.ge [sflag:s2], $0x10000  }
0x74: {  	p0 =	sne.s32 s7, $0x1;
	[sflag:s2] =	ssyncset.done $0x0  }
.Ltmp0:
0x75: {  	s10 =	rddreg [dreg:$0x5];
	[sflag:s2] =	ssyncadd.s32 $0xFFFF0000;
	(pc) =	sbr.rel @p0 .LBB2_1-.Ltmp0, $4  }
0x76: {  	[hbm4b:s10+s3] =	stream.linear.scatter [tilespmem:s9], [sflag:$0x2], $0x10000, $0x38;
	[tilespmem:$0x10080] =	vst v63  }
0x77: {  	_ =	swait.ge [sflag:s8], $0x10000  }
0x78: {  	[sflag:s8] =	ssyncset.done $0x0  }
0x79: {  	s7 =	sadd.s32 $0xFFFFFFFF, s7;
	[sflag:s8] =	ssyncadd.s32 $0xFFFF0000  }
0x7a: {  	_ =	sfence.sel $0x180000  }
0x7b: {  	[bflag:$0x0] =	sbarrier.arrive $0xFFFF  }
0x7c: {  	_ =	strace $0x9000004A  }
0x7d: {  	s0 =	stileid.u32;
	[bflag:$0x2] =	sbarrier.arrive $0xFFFF  }
0x7e: {  	p0 =	sne.s32 s0, $0x0;
	s0 =	rddreg [dreg:$0x3]  }
0x7f: {  	s0 =	sadd.s32 @!p0 $0x100000, s0  }
0x80: {  	[sflag:s0] =	ssyncadd.tile.s32 @!p0 $0x1;
	_ =	shalt  }
.Lfunc_end2:
_tile_overlayer_lowered:
.L_overlay_start_2:
0x81: {  	(tag) =	ssettag $0x2  }
0x82: {  	s0 =	rddreg [dreg:$0x0];
	s2 =	stileid.u32  }
0x83: {  	s1 =	rddreg [dreg:$0x1];
	p0 =	sne.s32 s2, $0x0  }
0x84: {  	s3 =	rddreg [dreg:$0x2];
	[bflag:$0x3] =	sbarrier.arrive $0xFFFF;
	s2 =	simm.s32 @!p0 $0x1C02  }
0x85: {  	[timem:s3], [sflag:s2] =	dma.local @!p0 [hbm:s0], s1  }
0x86: {  	s0 =	simm.s32 @!p0 $0x2  }
0x87: {  	_ =	swait.ge @!p0 [sflag:s0], s1  }
0x88: {  	s1 =	ssub.s32 @!p0 $0x0, s1;
	[sflag:s0] =	ssyncset.done @!p0 $0x0  }
0x89: {  	[sflag:s0] =	ssyncadd.s32 @!p0 s1  }
0x8a: {  	[bflag:$0x3] =	sbarrier.arrive $0xFFFF  }
0x8b: {  	_ =	shalt  }

</sc_bundles>
